<compile_context>
chip_gen: v7x
topology: tpu7x:2x2x1
jax: 0.10.2.dev20260603
libtpu: 0.0.44.dev20260713+nightly
codegen_flags: <defaults>
</compile_context>

<pallas_src>
import jax
import jax.numpy as jnp
from jax import lax
from jax.experimental import pallas as pl
from jax.experimental.pallas import tpu as pltpu
from jax.experimental.pallas import tpu_sc as plsc

H = 128
NH = 8
HD = H // NH
NT = 1024
SCALE = HD ** (-0.5)
NC = 100000
BC = 2000
NB = 50

NW = 32
SCH = 80
SNCH = NC // SCH


def _sc_scatter_body(exv_hbm, idx_hbm, zatt_hbm, att_out,
                     idx_v, rows_v, att_sh):
    c = lax.axis_index("c")
    s = lax.axis_index("s")
    w = s * 2 + c

    @pl.when(s == 0)
    def _():
        pltpu.sync_copy(zatt_hbm, att_sh)

    plsc.subcore_barrier()

    nk = 39 + jnp.where(w < SNCH % NW, 1, 0)

    def body(k, carry):
        off = (k * NW + w) * SCH
        pltpu.sync_copy(idx_hbm.at[pl.ds(off, SCH)], idx_v.at[0])
        pltpu.sync_copy(exv_hbm.at[pl.ds(off, SCH)], rows_v)
        pltpu.sync_copy(rows_v, att_sh.at[idx_v.at[0]], add=True)
        return carry

    lax.fori_loop(0, nk, body, 0)

    plsc.subcore_barrier()

    @pl.when(s == 0)
    def _():
        pltpu.sync_copy(att_sh, att_out.at[c])


def _sc_scatter(exv, idx):
    mesh = plsc.VectorSubcoreMesh(
        core_axis_name="c", subcore_axis_name="s",
        num_cores=2, num_subcores=16)
    zatt = jnp.zeros((NT, H), jnp.float32)
    return pl.kernel(
        _sc_scatter_body,
        out_type=jax.ShapeDtypeStruct((2, NT, H), jnp.float32),
        mesh=mesh,
        scratch_types=[
            pltpu.VMEM((1, SCH), jnp.int32),
            pltpu.VMEM((SCH, H), jnp.float32),
            pltpu.VMEM_SHARED((NT, H), jnp.float32),
        ],
    )(exv, idx, zatt)


def _ln(x, g, b):
    mu = jnp.mean(x, axis=-1, keepdims=True)
    var = jnp.mean((x - mu) ** 2, axis=-1, keepdims=True)
    return (x - mu) * jax.lax.rsqrt(var + 1e-5) * g + b


def _head_expand():
    r = jax.lax.broadcasted_iota(jnp.int32, (NH, H), 0)
    c = jax.lax.broadcasted_iota(jnp.int32, (NH, H), 1)
    return (r == c // HD).astype(jnp.float32)


def _exv_kernel(cell_ref, lab_ref, tis_ref, wqT_ref, bq_ref,
                wkT_ref, bk_ref, wvT_ref, bv_ref,
                exv_ref, dn_ref, dn_scr, q_scr):
    i = pl.program_id(0)

    @pl.when(i == 0)
    def _():
        dn_scr[...] = jnp.zeros_like(dn_scr)
        q_scr[...] = (
            jnp.dot(tis_ref[...], wqT_ref[...],
                    preferred_element_type=jnp.float32) + bq_ref[...]
        ).astype(jnp.bfloat16)

    K = (jnp.dot(cell_ref[...], wkT_ref[...],
                 preferred_element_type=jnp.float32) + bk_ref[...])
    lab = lab_ref[0]
    tid = jax.lax.broadcasted_iota(jnp.int32, (1, NT), 1)
    oh = (lab == tid).astype(jnp.bfloat16)
    qg = jnp.dot(oh, q_scr[...],
                 preferred_element_type=jnp.float32)
    s = jnp.dot(qg * K, _head_expand().T,
                preferred_element_type=jnp.float32) * SCALE
    ex = jnp.exp(s)
    V = (jnp.dot(cell_ref[...], wvT_ref[...],
                 preferred_element_type=jnp.float32) + bv_ref[...])
    exR = jnp.dot(ex, _head_expand(),
                  preferred_element_type=jnp.float32)
    exv_ref[...] = V * exR
    sel = (jax.lax.broadcasted_iota(jnp.int32, (NH, 16), 0)
           == jax.lax.broadcasted_iota(jnp.int32, (NH, 16), 1)
           ).astype(jnp.float32)
    col8 = (jax.lax.broadcasted_iota(jnp.int32, (BC, 16), 1) == 8
            ).astype(jnp.float32)
    dnr = jnp.dot(ex, sel, preferred_element_type=jnp.float32) + col8
    dn_scr[...] += jax.lax.dot_general(
        oh, dnr.astype(jnp.bfloat16), (((0,), (0,)), ((), ())),
        preferred_element_type=jnp.float32)

    @pl.when(i == NB - 1)
    def _():
        dn_ref[...] = dn_scr[...]


def _cell_kernel(cell_ref, lab_ref, att2_ref, dn_ref, tis_ref,
                 woT_ref, bo_ref, tdwvT_ref, tdbv_ref, tdwoT_ref, tdbo_ref,
                 tg_ref, tb_ref, g_ref, b_ref,
                 tout_ref, out_ref, td_scr):
    i = pl.program_id(0)

    @pl.when(i == 0)
    def _():
        dn = dn_ref[...]
        att_raw = att2_ref[0] + att2_ref[1]
        counts = dn[:, 8:9]
        mask = counts > 0.5
        denom = dn[:, :NH]
        denom = jnp.where(denom == 0.0, 1.0, denom)
        rep = jnp.dot(1.0 / denom, _head_expand(),
                      preferred_element_type=jnp.float32)
        att = att_raw * rep
        att_o = (jnp.dot(att, woT_ref[...],
                         preferred_element_type=jnp.float32) + bo_ref[...])
        tis = tis_ref[...]
        t_upd = jnp.where(mask, att_o, tis)
        td_v = (jnp.dot(t_upd, tdwvT_ref[...],
                        preferred_element_type=jnp.float32) + tdbv_ref[...])
        td_scr[...] = (jnp.dot(td_v, tdwoT_ref[...],
                               preferred_element_type=jnp.float32)
                       + tdbo_ref[...]).astype(jnp.bfloat16)
        tout_ref[...] = _ln(tis + t_upd, tg_ref[...], tb_ref[...])

    lab = lab_ref[0]
    tid = jax.lax.broadcasted_iota(jnp.int32, (1, NT), 1)
    oh = (lab == tid).astype(jnp.bfloat16)
    G = jnp.dot(oh, td_scr[...], preferred_element_type=jnp.float32)
    out_ref[...] = _ln(cell_ref[...] + G, g_ref[...], b_ref[...])


def _full(shape):
    return pl.BlockSpec(shape, lambda i: tuple(0 for _ in shape))


def kernel(cell_features, tissue_features, cluster_labels, tissue_batch,
           bu_Wq, bu_bq, bu_Wk, bu_bk, bu_Wv, bu_bv, bu_Wo, bu_bo,
           td_Wq, td_bq, td_Wk, td_bk, td_Wv, td_bv, td_Wo, td_bo,
           cell_ln_g, cell_ln_b, tissue_ln_g, tissue_ln_b):
    lab_col = cluster_labels.reshape(NB, BC, 1)

    exv, dn = pl.pallas_call(
        _exv_kernel,
        grid=(NB,),
        in_specs=[
            pl.BlockSpec((BC, H), lambda i: (i, 0)),
            pl.BlockSpec((1, BC, 1), lambda i: (i, 0, 0)),
            _full((NT, H)),
            _full((H, H)),
            _full((1, H)),
            _full((H, H)),
            _full((1, H)),
            _full((H, H)),
            _full((1, H)),
        ],
        out_specs=[
            pl.BlockSpec((BC, H), lambda i: (i, 0)),
            pl.BlockSpec((NT, 16), lambda i: (0, 0)),
        ],
        out_shape=[
            jax.ShapeDtypeStruct((NC, H), jnp.float32),
            jax.ShapeDtypeStruct((NT, 16), jnp.float32),
        ],
        scratch_shapes=[
            pltpu.VMEM((NT, 16), jnp.float32),
            pltpu.VMEM((NT, H), jnp.bfloat16),
        ],
    )(cell_features, lab_col, tissue_features,
      bu_Wq.T, bu_bq.reshape(1, H),
      bu_Wk.T, bu_bk.reshape(1, H),
      bu_Wv.T, bu_bv.reshape(1, H))

    att2 = _sc_scatter(exv, cluster_labels)

    tissue_out, cell_out = pl.pallas_call(
        _cell_kernel,
        grid=(NB,),
        in_specs=[
            pl.BlockSpec((BC, H), lambda i: (i, 0)),
            pl.BlockSpec((1, BC, 1), lambda i: (i, 0, 0)),
            _full((2, NT, H)),
            _full((NT, 16)),
            _full((NT, H)),
            _full((H, H)),
            _full((1, H)),
            _full((H, H)),
            _full((1, H)),
            _full((H, H)),
            _full((1, H)),
            _full((1, H)),
            _full((1, H)),
            _full((1, H)),
            _full((1, H)),
        ],
        out_specs=[
            pl.BlockSpec((NT, H), lambda i: (0, 0)),
            pl.BlockSpec((BC, H), lambda i: (i, 0)),
        ],
        out_shape=[
            jax.ShapeDtypeStruct((NT, H), jnp.float32),
            jax.ShapeDtypeStruct((NC, H), jnp.float32),
        ],
        scratch_shapes=[pltpu.VMEM((NT, H), jnp.bfloat16)],
    )(cell_features, lab_col, att2, dn, tissue_features,
      bu_Wo.T, bu_bo.reshape(1, H),
      td_Wv.T, td_bv.reshape(1, H), td_Wo.T, td_bo.reshape(1, H),
      tissue_ln_g.reshape(1, H), tissue_ln_b.reshape(1, H),
      cell_ln_g.reshape(1, H), cell_ln_b.reshape(1, H))

    return cell_out, tissue_out

# --- scband reference (transcript-rebuilt; emitter-appended) ---
"""Pipeline reference for scband-cross-level-attention-71545565216848 (READ-ONLY COPY).

The authoritative reference and input builder live on the scoring server;
editing this copy changes nothing except your own understanding.
"""

import jax, jax.numpy as jnp
import numpy as np

H = 128
NH = 8
HD = H // NH
NC = 100000
NT = 1024
SCALE = HD ** (-0.5)


def _linear_params(key):
    k1, k2 = jax.random.split(key)
    W = jax.random.normal(k1, (H, H), jnp.float32) * (1.0 / np.sqrt(H))
    b = jax.random.normal(k2, (H,), jnp.float32) * 0.01
    return W, b


def setup_inputs(seed: int = 0) -> dict:
    key = jax.random.key(seed)
    ks = jax.random.split(key, 16)
    inp = {}
    inp["cell_features"] = jax.random.normal(ks[0], (NC, H), jnp.float32)
    inp["tissue_features"] = jax.random.normal(ks[1], (NT, H), jnp.float32)
    inp["cluster_labels"] = jax.random.randint(ks[2], (NC,), 0, NT, jnp.int32)
    inp["tissue_batch"] = jax.random.randint(ks[3], (NT,), 0, 8, jnp.int32)
    i = 4
    for prefix in ("bu", "td"):
        for name in ("q", "k", "v", "o"):
            W, b = _linear_params(ks[i]); i += 1
            inp[prefix + "_W" + name] = W
            inp[prefix + "_b" + name] = b
    inp["cell_ln_g"] = jnp.ones((H,), jnp.float32)
    inp["cell_ln_b"] = jnp.zeros((H,), jnp.float32)
    inp["tissue_ln_g"] = jnp.ones((H,), jnp.float32)
    inp["tissue_ln_b"] = jnp.zeros((H,), jnp.float32)
    return inp


def _layernorm(x, g, b):
    mu = x.mean(-1, keepdims=True)
    var = ((x - mu) ** 2).mean(-1, keepdims=True)
    return (x - mu) / jnp.sqrt(var + 1e-5) * g + b


def reference(cell_features, tissue_features, cluster_labels, tissue_batch,
              bu_Wq, bu_bq, bu_Wk, bu_bk, bu_Wv, bu_bv, bu_Wo, bu_bo,
              td_Wq, td_bq, td_Wk, td_bk, td_Wv, td_bv, td_Wo, td_bo,
              cell_ln_g, cell_ln_b, tissue_ln_g, tissue_ln_b):
    labels = cluster_labels
    # ---- bottom-up attention: each tissue node attends over its member cells ----
    # Equivalent to the per-cluster python loop in the torch code, vectorized as
    # a segment-softmax attention (query length 1 per cluster).
    Q = (tissue_features @ bu_Wq.T + bu_bq).reshape(NT, NH, HD)
    K = (cell_features @ bu_Wk.T + bu_bk).reshape(NC, NH, HD)
    V = (cell_features @ bu_Wv.T + bu_bv).reshape(NC, NH, HD)
    scores = jnp.sum(Q[labels] * K, axis=-1) * SCALE  # [NC, NH]
    counts = jnp.bincount(labels, length=NT)
    mask = counts > 0
    seg_max = jax.ops.segment_max(scores, labels, num_segments=NT)
    seg_max = jnp.where(mask[:, None], seg_max, 0.0)
    ex = jnp.exp(scores - seg_max[labels])
    denom = jax.ops.segment_sum(ex, labels, num_segments=NT)
    denom = jnp.where(mask[:, None], denom, 1.0)
    w = ex / denom[labels]
    att = jax.ops.segment_sum(w[..., None] * V, labels, num_segments=NT)  # [NT, NH, HD]
    att = att.reshape(NT, H) @ bu_Wo.T + bu_bo
    tissue_updated = jnp.where(mask[:, None], att, tissue_features)
    # ---- top-down attention: each cell attends to its single tissue node ----
    # softmax over a single key is identically 1, so attended = out_proj(v_proj(tissue)).
    td_v = tissue_updated @ td_Wv.T + td_bv
    td_out = td_v @ td_Wo.T + td_bo
    cell_updated = td_out[labels]
    cell_out = _layernorm(cell_features + cell_updated, cell_ln_g, cell_ln_b)
    tissue_out = _layernorm(tissue_features + tissue_updated, tissue_ln_g, tissue_ln_b)
    return cell_out, tissue_out

if __name__ == "__main__":
    import jax
    _d = setup_inputs()
    print(jax.jit(kernel)(*tuple(_d.values())))

</pallas_src>

<mosaic_0001>
#map = affine_map<(d0, d1) -> (0, 0)>
#map1 = affine_map<(d0, d1) -> (0)>
#map2 = affine_map<(d0, d1) -> (0, 0, 0)>
module attributes {stable_mosaic.version = 14 : i64} {
  func.func @_sc_scatter_body(%arg0: i32, %arg1: i32, %arg2: memref<100000x128xf32, #tpu.memory_space<hbm>>, %arg3: memref<100000xi32, #tpu.memory_space<hbm>>, %arg4: memref<1024x128xf32, #tpu.memory_space<hbm>>, %arg5: memref<2x1024x128xf32, #tpu.memory_space<hbm>>, %arg6: memref<1x80xi32, #tpu.memory_space<vmem>>, %arg7: memref<80x128xf32, #tpu.memory_space<vmem>>, %arg8: memref<1024x128xf32, #tpu.memory_space<vmem_shared>>) attributes {dimension_semantics = [#tpu.dimension_semantics<core_parallel>, #tpu.dimension_semantics<subcore_parallel>], iteration_bounds = array<i64: 2, 16>, scalar_prefetch = 0 : i64, scratch_operands = 3 : i64, tpu.core_type = #tpu.core_type<sc_vector_subcore>, window_params = [{transform_indices = #map}, {transform_indices = #map1}, {transform_indices = #map}, {transform_indices = #map2}]} {
    %mul3A = arith.constant 2 : i32
    %mul3A_0 = arith.muli %arg1, %mul3A : i32
    %add3A = arith.addi %mul3A_0, %arg0 : i32
    %eq3A = arith.constant 0 : i32
    %eq3A_1 = arith.cmpi eq, %arg1, %eq3A : i32
    %convert_element_type3A = arith.extui %eq3A_1 : i1 to i32
    %cond3A = arith.constant 0 : i32
    %cond3A_2 = arith.cmpi ne, %convert_element_type3A, %cond3A : i32
    scf.if %cond3A_2 {
      "tpu.region"() ({
        %run_scoped3A = tpu.sem_alloc : memref<!tpu.dma_semaphore, #tpu.memory_space<semaphore_mem>>
        tpu.enqueue_dma source(%arg4 : memref<1024x128xf32, #tpu.memory_space<hbm>>) target(%arg8 : memref<1024x128xf32, #tpu.memory_space<vmem_shared>>) target_semaphore(%run_scoped3A : memref<!tpu.dma_semaphore, #tpu.memory_space<semaphore_mem>>)
        tpu.wait_dma2 semaphore(%run_scoped3A : memref<!tpu.dma_semaphore, #tpu.memory_space<semaphore_mem>>) src(%arg4 : memref<1024x128xf32, #tpu.memory_space<hbm>>) dst(%arg8 : memref<1024x128xf32, #tpu.memory_space<vmem_shared>>)
        tpu.yield
      }) : () -> ()
    } else {
    }
    %barrier3A = arith.constant 0 : index
    tpu.barrier barrier_id(%barrier3A)
    %lt3A = arith.constant 2 : i32
    %lt3A_3 = arith.cmpi slt, %add3A, %lt3A : i32
    %jit3A = arith.constant 1 : i32
    %jit3A_4 = arith.constant 0 : i32
    %select_n3A = arith.select %lt3A_3, %jit3A, %jit3A_4 : i32
    %add3A_5 = arith.constant 39 : i32
    %add3A_6 = arith.addi %add3A_5, %select_n3A : i32
    %while3A = arith.constant 0 : i32
    %while3A_7 = arith.constant 0 : i32
    %while3A_8 = arith.subi %add3A_6, %while3A_7 : i32
    %while3A_9 = arith.addi %while3A_7, %while3A_8 : i32
    %while3A_10 = arith.constant 1 : i32
    %while3A_11 = arith.divsi %while3A_8, %while3A_10 : i32
    %while3A_12 = arith.muli %while3A_11, %while3A_10 : i32
    %while3A_13 = arith.addi %while3A_7, %while3A_12 : i32
    %while3A_14 = arith.constant 1 : i32
    scf.for %while3A_22 = %while3A_7 to %while3A_13 step %while3A_14  : i32 {
      %mul3A_23 = arith.constant 32 : i32
      %mul3A_24 = arith.muli %while3A_22, %mul3A_23 : i32
      %add3A_25 = arith.addi %mul3A_24, %add3A : i32
      %mul3A_26 = arith.constant 80 : i32
      %mul3A_27 = arith.muli %add3A_25, %mul3A_26 : i32
      %run_scoped3A = arith.constant 0 : i32
      "tpu.region"() ({
        %run_scoped3A_29 = tpu.sem_alloc : memref<!tpu.dma_semaphore, #tpu.memory_space<semaphore_mem>>
        %dma_start3A = arith.constant 0 : i32
        %dma_start3A_30 = tpu.memref_slice %arg6[%run_scoped3A, %dma_start3A] : memref<1x80xi32, #tpu.memory_space<vmem>> -> memref<1x80xi32, #tpu.memory_space<vmem>>
        %dma_start3A_31 = tpu.memref_squeeze %dma_start3A_30 : memref<1x80xi32, #tpu.memory_space<vmem>> -> memref<80xi32, #tpu.memory_space<vmem>>
        %dma_start3A_32 = tpu.memref_slice %arg3[%mul3A_27] : memref<100000xi32, #tpu.memory_space<hbm>> -> memref<80xi32, #tpu.memory_space<hbm>>
        %dma_start3A_33 = arith.constant 0 : i32
        %dma_start3A_34 = tpu.memref_slice %arg6[%run_scoped3A, %dma_start3A_33] : memref<1x80xi32, #tpu.memory_space<vmem>> -> memref<1x80xi32, #tpu.memory_space<vmem>>
        %dma_start3A_35 = tpu.memref_squeeze %dma_start3A_34 : memref<1x80xi32, #tpu.memory_space<vmem>> -> memref<80xi32, #tpu.memory_space<vmem>>
        %dma_start3A_36 = tpu.memref_slice %arg3[%mul3A_27] : memref<100000xi32, #tpu.memory_space<hbm>> -> memref<80xi32, #tpu.memory_space<hbm>>
        tpu.enqueue_dma source(%dma_start3A_36 : memref<80xi32, #tpu.memory_space<hbm>>) target(%dma_start3A_35 : memref<80xi32, #tpu.memory_space<vmem>>) target_semaphore(%run_scoped3A_29 : memref<!tpu.dma_semaphore, #tpu.memory_space<semaphore_mem>>)
        %dma_wait3A = arith.constant 0 : i32
        %dma_wait3A_37 = tpu.memref_slice %arg6[%run_scoped3A, %dma_wait3A] : memref<1x80xi32, #tpu.memory_space<vmem>> -> memref<1x80xi32, #tpu.memory_space<vmem>>
        %dma_wait3A_38 = tpu.memref_squeeze %dma_wait3A_37 : memref<1x80xi32, #tpu.memory_space<vmem>> -> memref<80xi32, #tpu.memory_space<vmem>>
        %dma_wait3A_39 = tpu.memref_slice %arg3[%mul3A_27] : memref<100000xi32, #tpu.memory_space<hbm>> -> memref<80xi32, #tpu.memory_space<hbm>>
        %dma_wait3A_40 = arith.constant 0 : i32
        %dma_wait3A_41 = tpu.memref_slice %arg6[%run_scoped3A, %dma_wait3A_40] : memref<1x80xi32, #tpu.memory_space<vmem>> -> memref<1x80xi32, #tpu.memory_space<vmem>>
        %dma_wait3A_42 = tpu.memref_squeeze %dma_wait3A_41 : memref<1x80xi32, #tpu.memory_space<vmem>> -> memref<80xi32, #tpu.memory_space<vmem>>
        %dma_wait3A_43 = tpu.memref_slice %arg3[%mul3A_27] : memref<100000xi32, #tpu.memory_space<hbm>> -> memref<80xi32, #tpu.memory_space<hbm>>
        tpu.wait_dma2 semaphore(%run_scoped3A_29 : memref<!tpu.dma_semaphore, #tpu.memory_space<semaphore_mem>>) src(%dma_wait3A_43 : memref<80xi32, #tpu.memory_space<hbm>>) dst(%dma_wait3A_42 : memref<80xi32, #tpu.memory_space<vmem>>)
        tpu.yield
      }) : () -> ()
      "tpu.region"() ({
        %run_scoped3A_29 = tpu.sem_alloc : memref<!tpu.dma_semaphore, #tpu.memory_space<semaphore_mem>>
        %dma_start3A = arith.constant 0 : i32
        %dma_start3A_30 = tpu.memref_slice %arg2[%mul3A_27, %dma_start3A] : memref<100000x128xf32, #tpu.memory_space<hbm>> -> memref<80x128xf32, #tpu.memory_space<hbm>>
        %dma_start3A_31 = arith.constant 0 : i32
        %dma_start3A_32 = tpu.memref_slice %arg2[%mul3A_27, %dma_start3A_31] : memref<100000x128xf32, #tpu.memory_space<hbm>> -> memref<80x128xf32, #tpu.memory_space<hbm>>
        tpu.enqueue_dma source(%dma_start3A_32 : memref<80x128xf32, #tpu.memory_space<hbm>>) target(%arg7 : memref<80x128xf32, #tpu.memory_space<vmem>>) target_semaphore(%run_scoped3A_29 : memref<!tpu.dma_semaphore, #tpu.memory_space<semaphore_mem>>)
        %dma_wait3A = arith.constant 0 : i32
        %dma_wait3A_33 = tpu.memref_slice %arg2[%mul3A_27, %dma_wait3A] : memref<100000x128xf32, #tpu.memory_space<hbm>> -> memref<80x128xf32, #tpu.memory_space<hbm>>
        %dma_wait3A_34 = arith.constant 0 : i32
        %dma_wait3A_35 = tpu.memref_slice %arg2[%mul3A_27, %dma_wait3A_34] : memref<100000x128xf32, #tpu.memory_space<hbm>> -> memref<80x128xf32, #tpu.memory_space<hbm>>
        tpu.wait_dma2 semaphore(%run_scoped3A_29 : memref<!tpu.dma_semaphore, #tpu.memory_space<semaphore_mem>>) src(%dma_wait3A_35 : memref<80x128xf32, #tpu.memory_space<hbm>>) dst(%arg7 : memref<80x128xf32, #tpu.memory_space<vmem>>)
        tpu.yield
      }) : () -> ()
      %run_scoped3A_28 = arith.constant 0 : i32
      "tpu.region"() ({
        %run_scoped3A_29 = tpu.sem_alloc : memref<!tpu.dma_semaphore, #tpu.memory_space<semaphore_mem>>
        %dma_start3A = arith.constant 0 : i32
        %dma_start3A_30 = tpu.memref_slice %arg6[%run_scoped3A_28, %dma_start3A] : memref<1x80xi32, #tpu.memory_space<vmem>> -> memref<1x80xi32, #tpu.memory_space<vmem>>
        %dma_start3A_31 = tpu.memref_squeeze %dma_start3A_30 : memref<1x80xi32, #tpu.memory_space<vmem>> -> memref<80xi32, #tpu.memory_space<vmem>>
        %dma_start3A_32 = arith.constant 0 : i32
        %dma_start3A_33 = arith.constant 0 : i32
        %dma_start3A_34 = tpu.memref_slice %arg8[%dma_start3A_32, %dma_start3A_33] : memref<1024x128xf32, #tpu.memory_space<vmem_shared>> -> memref<1024x128xf32, #tpu.memory_space<vmem_shared>>
        tpu.enqueue_indirect_dma source(%arg7 : memref<80x128xf32, #tpu.memory_space<vmem>>) target(%dma_start3A_34 : memref<1024x128xf32, #tpu.memory_space<vmem_shared>>) offsets(%dma_start3A_31 : memref<80xi32, #tpu.memory_space<vmem>>) semaphore(%run_scoped3A_29 : memref<!tpu.dma_semaphore, #tpu.memory_space<semaphore_mem>>) {add = true}
        %dma_wait3A = arith.constant 0 : i32
        %dma_wait3A_35 = tpu.memref_slice %arg6[%run_scoped3A_28, %dma_wait3A] : memref<1x80xi32, #tpu.memory_space<vmem>> -> memref<1x80xi32, #tpu.memory_space<vmem>>
        %dma_wait3A_36 = tpu.memref_squeeze %dma_wait3A_35 : memref<1x80xi32, #tpu.memory_space<vmem>> -> memref<80xi32, #tpu.memory_space<vmem>>
        %dma_wait3A_37 = arith.constant 0 : i32
        %dma_wait3A_38 = arith.constant 0 : i32
        %dma_wait3A_39 = tpu.memref_slice %arg8[%dma_wait3A_37, %dma_wait3A_38] : memref<1024x128xf32, #tpu.memory_space<vmem_shared>> -> memref<1024x128xf32, #tpu.memory_space<vmem_shared>>
        tpu.wait_indirect_dma semaphore(%run_scoped3A_29 : memref<!tpu.dma_semaphore, #tpu.memory_space<semaphore_mem>>) src(%arg7 : memref<80x128xf32, #tpu.memory_space<vmem>>) dst(%dma_wait3A_39 : memref<1024x128xf32, #tpu.memory_space<vmem_shared>>)
        tpu.yield
      }) : () -> ()
    }
    %while3A_15 = arith.constant 1 : i32
    scf.for %while3A_22 = %while3A_13 to %while3A_9 step %while3A_15  : i32 {
      %mul3A_23 = arith.constant 32 : i32
      %mul3A_24 = arith.muli %while3A_22, %mul3A_23 : i32
      %add3A_25 = arith.addi %mul3A_24, %add3A : i32
      %mul3A_26 = arith.constant 80 : i32
      %mul3A_27 = arith.muli %add3A_25, %mul3A_26 : i32
      %run_scoped3A = arith.constant 0 : i32
      "tpu.region"() ({
        %run_scoped3A_29 = tpu.sem_alloc : memref<!tpu.dma_semaphore, #tpu.memory_space<semaphore_mem>>
        %dma_start3A = arith.constant 0 : i32
        %dma_start3A_30 = tpu.memref_slice %arg6[%run_scoped3A, %dma_start3A] : memref<1x80xi32, #tpu.memory_space<vmem>> -> memref<1x80xi32, #tpu.memory_space<vmem>>
        %dma_start3A_31 = tpu.memref_squeeze %dma_start3A_30 : memref<1x80xi32, #tpu.memory_space<vmem>> -> memref<80xi32, #tpu.memory_space<vmem>>
        %dma_start3A_32 = tpu.memref_slice %arg3[%mul3A_27] : memref<100000xi32, #tpu.memory_space<hbm>> -> memref<80xi32, #tpu.memory_space<hbm>>
        %dma_start3A_33 = arith.constant 0 : i32
        %dma_start3A_34 = tpu.memref_slice %arg6[%run_scoped3A, %dma_start3A_33] : memref<1x80xi32, #tpu.memory_space<vmem>> -> memref<1x80xi32, #tpu.memory_space<vmem>>
        %dma_start3A_35 = tpu.memref_squeeze %dma_start3A_34 : memref<1x80xi32, #tpu.memory_space<vmem>> -> memref<80xi32, #tpu.memory_space<vmem>>
        %dma_start3A_36 = tpu.memref_slice %arg3[%mul3A_27] : memref<100000xi32, #tpu.memory_space<hbm>> -> memref<80xi32, #tpu.memory_space<hbm>>
        tpu.enqueue_dma source(%dma_start3A_36 : memref<80xi32, #tpu.memory_space<hbm>>) target(%dma_start3A_35 : memref<80xi32, #tpu.memory_space<vmem>>) target_semaphore(%run_scoped3A_29 : memref<!tpu.dma_semaphore, #tpu.memory_space<semaphore_mem>>)
        %dma_wait3A = arith.constant 0 : i32
        %dma_wait3A_37 = tpu.memref_slice %arg6[%run_scoped3A, %dma_wait3A] : memref<1x80xi32, #tpu.memory_space<vmem>> -> memref<1x80xi32, #tpu.memory_space<vmem>>
        %dma_wait3A_38 = tpu.memref_squeeze %dma_wait3A_37 : memref<1x80xi32, #tpu.memory_space<vmem>> -> memref<80xi32, #tpu.memory_space<vmem>>
        %dma_wait3A_39 = tpu.memref_slice %arg3[%mul3A_27] : memref<100000xi32, #tpu.memory_space<hbm>> -> memref<80xi32, #tpu.memory_space<hbm>>
        %dma_wait3A_40 = arith.constant 0 : i32
        %dma_wait3A_41 = tpu.memref_slice %arg6[%run_scoped3A, %dma_wait3A_40] : memref<1x80xi32, #tpu.memory_space<vmem>> -> memref<1x80xi32, #tpu.memory_space<vmem>>
        %dma_wait3A_42 = tpu.memref_squeeze %dma_wait3A_41 : memref<1x80xi32, #tpu.memory_space<vmem>> -> memref<80xi32, #tpu.memory_space<vmem>>
        %dma_wait3A_43 = tpu.memref_slice %arg3[%mul3A_27] : memref<100000xi32, #tpu.memory_space<hbm>> -> memref<80xi32, #tpu.memory_space<hbm>>
        tpu.wait_dma2 semaphore(%run_scoped3A_29 : memref<!tpu.dma_semaphore, #tpu.memory_space<semaphore_mem>>) src(%dma_wait3A_43 : memref<80xi32, #tpu.memory_space<hbm>>) dst(%dma_wait3A_42 : memref<80xi32, #tpu.memory_space<vmem>>)
        tpu.yield
      }) : () -> ()
      "tpu.region"() ({
        %run_scoped3A_29 = tpu.sem_alloc : memref<!tpu.dma_semaphore, #tpu.memory_space<semaphore_mem>>
        %dma_start3A = arith.constant 0 : i32
        %dma_start3A_30 = tpu.memref_slice %arg2[%mul3A_27, %dma_start3A] : memref<100000x128xf32, #tpu.memory_space<hbm>> -> memref<80x128xf32, #tpu.memory_space<hbm>>
        %dma_start3A_31 = arith.constant 0 : i32
        %dma_start3A_32 = tpu.memref_slice %arg2[%mul3A_27, %dma_start3A_31] : memref<100000x128xf32, #tpu.memory_space<hbm>> -> memref<80x128xf32, #tpu.memory_space<hbm>>
        tpu.enqueue_dma source(%dma_start3A_32 : memref<80x128xf32, #tpu.memory_space<hbm>>) target(%arg7 : memref<80x128xf32, #tpu.memory_space<vmem>>) target_semaphore(%run_scoped3A_29 : memref<!tpu.dma_semaphore, #tpu.memory_space<semaphore_mem>>)
        %dma_wait3A = arith.constant 0 : i32
        %dma_wait3A_33 = tpu.memref_slice %arg2[%mul3A_27, %dma_wait3A] : memref<100000x128xf32, #tpu.memory_space<hbm>> -> memref<80x128xf32, #tpu.memory_space<hbm>>
        %dma_wait3A_34 = arith.constant 0 : i32
        %dma_wait3A_35 = tpu.memref_slice %arg2[%mul3A_27, %dma_wait3A_34] : memref<100000x128xf32, #tpu.memory_space<hbm>> -> memref<80x128xf32, #tpu.memory_space<hbm>>
        tpu.wait_dma2 semaphore(%run_scoped3A_29 : memref<!tpu.dma_semaphore, #tpu.memory_space<semaphore_mem>>) src(%dma_wait3A_35 : memref<80x128xf32, #tpu.memory_space<hbm>>) dst(%arg7 : memref<80x128xf32, #tpu.memory_space<vmem>>)
        tpu.yield
      }) : () -> ()
      %run_scoped3A_28 = arith.constant 0 : i32
      "tpu.region"() ({
        %run_scoped3A_29 = tpu.sem_alloc : memref<!tpu.dma_semaphore, #tpu.memory_space<semaphore_mem>>
        %dma_start3A = arith.constant 0 : i32
        %dma_start3A_30 = tpu.memref_slice %arg6[%run_scoped3A_28, %dma_start3A] : memref<1x80xi32, #tpu.memory_space<vmem>> -> memref<1x80xi32, #tpu.memory_space<vmem>>
        %dma_start3A_31 = tpu.memref_squeeze %dma_start3A_30 : memref<1x80xi32, #tpu.memory_space<vmem>> -> memref<80xi32, #tpu.memory_space<vmem>>
        %dma_start3A_32 = arith.constant 0 : i32
        %dma_start3A_33 = arith.constant 0 : i32
        %dma_start3A_34 = tpu.memref_slice %arg8[%dma_start3A_32, %dma_start3A_33] : memref<1024x128xf32, #tpu.memory_space<vmem_shared>> -> memref<1024x128xf32, #tpu.memory_space<vmem_shared>>
        tpu.enqueue_indirect_dma source(%arg7 : memref<80x128xf32, #tpu.memory_space<vmem>>) target(%dma_start3A_34 : memref<1024x128xf32, #tpu.memory_space<vmem_shared>>) offsets(%dma_start3A_31 : memref<80xi32, #tpu.memory_space<vmem>>) semaphore(%run_scoped3A_29 : memref<!tpu.dma_semaphore, #tpu.memory_space<semaphore_mem>>) {add = true}
        %dma_wait3A = arith.constant 0 : i32
        %dma_wait3A_35 = tpu.memref_slice %arg6[%run_scoped3A_28, %dma_wait3A] : memref<1x80xi32, #tpu.memory_space<vmem>> -> memref<1x80xi32, #tpu.memory_space<vmem>>
        %dma_wait3A_36 = tpu.memref_squeeze %dma_wait3A_35 : memref<1x80xi32, #tpu.memory_space<vmem>> -> memref<80xi32, #tpu.memory_space<vmem>>
        %dma_wait3A_37 = arith.constant 0 : i32
        %dma_wait3A_38 = arith.constant 0 : i32
        %dma_wait3A_39 = tpu.memref_slice %arg8[%dma_wait3A_37, %dma_wait3A_38] : memref<1024x128xf32, #tpu.memory_space<vmem_shared>> -> memref<1024x128xf32, #tpu.memory_space<vmem_shared>>
        tpu.wait_indirect_dma semaphore(%run_scoped3A_29 : memref<!tpu.dma_semaphore, #tpu.memory_space<semaphore_mem>>) src(%arg7 : memref<80x128xf32, #tpu.memory_space<vmem>>) dst(%dma_wait3A_39 : memref<1024x128xf32, #tpu.memory_space<vmem_shared>>)
        tpu.yield
      }) : () -> ()
    }
    %barrier3A_16 = arith.constant 0 : index
    tpu.barrier barrier_id(%barrier3A_16)
    %eq3A_17 = arith.constant 0 : i32
    %eq3A_18 = arith.cmpi eq, %arg1, %eq3A_17 : i32
    %convert_element_type3A_19 = arith.extui %eq3A_18 : i1 to i32
    %cond3A_20 = arith.constant 0 : i32
    %cond3A_21 = arith.cmpi ne, %convert_element_type3A_19, %cond3A_20 : i32
    scf.if %cond3A_21 {
      "tpu.region"() ({
        %run_scoped3A = tpu.sem_alloc : memref<!tpu.dma_semaphore, #tpu.memory_space<semaphore_mem>>
        %dma_start3A = arith.constant 0 : i32
        %dma_start3A_22 = arith.constant 0 : i32
        %dma_start3A_23 = tpu.memref_slice %arg5[%arg0, %dma_start3A, %dma_start3A_22] : memref<2x1024x128xf32, #tpu.memory_space<hbm>> -> memref<1x1024x128xf32, #tpu.memory_space<hbm>>
        %dma_start3A_24 = tpu.memref_squeeze %dma_start3A_23 : memref<1x1024x128xf32, #tpu.memory_space<hbm>> -> memref<1024x128xf32, #tpu.memory_space<hbm>>
        tpu.enqueue_dma source(%arg8 : memref<1024x128xf32, #tpu.memory_space<vmem_shared>>) target(%dma_start3A_24 : memref<1024x128xf32, #tpu.memory_space<hbm>>) target_semaphore(%run_scoped3A : memref<!tpu.dma_semaphore, #tpu.memory_space<semaphore_mem>>)
        %dma_wait3A = arith.constant 0 : i32
        %dma_wait3A_25 = arith.constant 0 : i32
        %dma_wait3A_26 = tpu.memref_slice %arg5[%arg0, %dma_wait3A, %dma_wait3A_25] : memref<2x1024x128xf32, #tpu.memory_space<hbm>> -> memref<1x1024x128xf32, #tpu.memory_space<hbm>>
        %dma_wait3A_27 = tpu.memref_squeeze %dma_wait3A_26 : memref<1x1024x128xf32, #tpu.memory_space<hbm>> -> memref<1024x128xf32, #tpu.memory_space<hbm>>
        tpu.wait_dma2 semaphore(%run_scoped3A : memref<!tpu.dma_semaphore, #tpu.memory_space<semaphore_mem>>) src(%arg8 : memref<1024x128xf32, #tpu.memory_space<vmem_shared>>) dst(%dma_wait3A_27 : memref<1024x128xf32, #tpu.memory_space<hbm>>)
        tpu.yield
      }) : () -> ()
    } else {
    }
    return
  }
}

module attributes {stable_mosaic.version = 14 : i64} {
  func.func @_exv_kernel(%arg0: i32, %arg1: memref<2000x128xf32, #tpu.memory_space<vmem>>, %arg2: memref<1x2000x1xi32, #tpu.memory_space<vmem>>, %arg3: memref<1024x128xf32, #tpu.memory_space<vmem>>, %arg4: memref<128x128xf32, #tpu.memory_space<vmem>>, %arg5: memref<1x128xf32, #tpu.memory_space<vmem>>, %arg6: memref<128x128xf32, #tpu.memory_space<vmem>>, %arg7: memref<1x128xf32, #tpu.memory_space<vmem>>, %arg8: memref<128x128xf32, #tpu.memory_space<vmem>>, %arg9: memref<1x128xf32, #tpu.memory_space<vmem>>, %arg10: memref<2000x128xf32, #tpu.memory_space<vmem>>, %arg11: memref<1024x16xf32, #tpu.memory_space<vmem>>, %arg12: memref<1024x16xf32, #tpu.memory_space<vmem>>, %arg13: memref<1024x128xbf16, #tpu.memory_space<vmem>>) attributes {dimension_semantics = [#tpu.dimension_semantics<arbitrary>], iteration_bounds = array<i64: 50>, scalar_prefetch = 0 : i64, scratch_operands = 2 : i64, tpu.core_type = #tpu.core_type<tc>, window_params = [{transform_indices = @transform_0, window_bounds = array<i64: 2000, 128>}, {transform_indices = @transform_1, window_bounds = array<i64: 1, 2000, 1>}, {pipeline_mode = #tpu.pipeline_mode<synchronous>, transform_indices = @transform_2, window_bounds = array<i64: 1024, 128>}, {pipeline_mode = #tpu.pipeline_mode<synchronous>, transform_indices = @transform_3, window_bounds = array<i64: 128, 128>}, {pipeline_mode = #tpu.pipeline_mode<synchronous>, transform_indices = @transform_4, window_bounds = array<i64: 1, 128>}, {pipeline_mode = #tpu.pipeline_mode<synchronous>, transform_indices = @transform_5, window_bounds = array<i64: 128, 128>}, {pipeline_mode = #tpu.pipeline_mode<synchronous>, transform_indices = @transform_6, window_bounds = array<i64: 1, 128>}, {pipeline_mode = #tpu.pipeline_mode<synchronous>, transform_indices = @transform_7, window_bounds = array<i64: 128, 128>}, {pipeline_mode = #tpu.pipeline_mode<synchronous>, transform_indices = @transform_8, window_bounds = array<i64: 1, 128>}, {transform_indices = @transform_9, window_bounds = array<i64: 2000, 128>}, {pipeline_mode = #tpu.pipeline_mode<synchronous>, transform_indices = @transform_10, window_bounds = array<i64: 1024, 16>}]} {
    %eq3A = arith.constant 0 : i32
    %eq3A_0 = arith.cmpi eq, %arg0, %eq3A : i32
    %convert_element_type3A = arith.extui %eq3A_0 : i1 to i32
    %cond3A = arith.constant 0 : i32
    %cond3A_1 = arith.cmpi ne, %convert_element_type3A, %cond3A : i32
    scf.if %cond3A_1 {
      %broadcast_in_dim3A = arith.constant 0.000000e+00 : f32
      %broadcast_in_dim3A_144 = vector.broadcast %broadcast_in_dim3A : f32 to vector<1024x16xf32>
      %swap3A_145 = arith.constant 0 : index
      %swap3A_146 = arith.constant 0 : index
      %swap3A_147 = vector.load %arg12[%swap3A_145, %swap3A_146] : memref<1024x16xf32, #tpu.memory_space<vmem>>, vector<1024x16xf32>
      tpu.vector_store %arg12[%swap3A_145, %swap3A_146], %broadcast_in_dim3A_144 {strides = array<i32>} : memref<1024x16xf32, #tpu.memory_space<vmem>>, vector<1024x16xf32>,
      %get3A_148 = arith.constant 0 : index
      %get3A_149 = arith.constant 0 : index
      %get3A_150 = vector.load %arg3[%get3A_148, %get3A_149] : memref<1024x128xf32, #tpu.memory_space<vmem>>, vector<1024x128xf32>
      %get3A_151 = arith.constant 0 : index
      %get3A_152 = arith.constant 0 : index
      %get3A_153 = vector.load %arg4[%get3A_151, %get3A_152] : memref<128x128xf32, #tpu.memory_space<vmem>>, vector<128x128xf32>
      %dot_general3A_154 = arith.constant dense<0.000000e+00> : vector<1024x128xf32>
      %dot_general3A_155 = tpu.matmul %get3A_150, %get3A_153, %dot_general3A_154 {dimension_numbers = #tpu.dot_dimension_numbers<[1], [0], [0], [1], [0, 0, 1, 1], [], []>, transpose_lhs_hint = false} : vector<1024x128xf32>, vector<128x128xf32>, vector<1024x128xf32> -> vector<1024x128xf32>
      %get3A_156 = arith.constant 0 : index
      %get3A_157 = arith.constant 0 : index
      %get3A_158 = vector.load %arg5[%get3A_156, %get3A_157] : memref<1x128xf32, #tpu.memory_space<vmem>>, vector<1x128xf32>
      %add3A_159 = vector.broadcast %get3A_158 : vector<1x128xf32> to vector<1024x128xf32>
      %add3A_160 = arith.addf %dot_general3A_155, %add3A_159 : vector<1024x128xf32>
      %convert_element_type3A_161 = arith.truncf %add3A_160 : vector<1024x128xf32> to vector<1024x128xbf16>
      %swap3A_162 = arith.constant 0 : index
      %swap3A_163 = arith.constant 0 : index
      %swap3A_164 = vector.load %arg13[%swap3A_162, %swap3A_163] : memref<1024x128xbf16, #tpu.memory_space<vmem>>, vector<1024x128xbf16>
      tpu.vector_store %arg13[%swap3A_162, %swap3A_163], %convert_element_type3A_161 {strides = array<i32>} : memref<1024x128xbf16, #tpu.memory_space<vmem>>, vector<1024x128xbf16>,
    } else {
    }
    %get3A = arith.constant 0 : index
    %get3A_2 = arith.constant 0 : index
    %get3A_3 = vector.load %arg1[%get3A, %get3A_2] : memref<2000x128xf32, #tpu.memory_space<vmem>>, vector<2000x128xf32>
    %get3A_4 = arith.constant 0 : index
    %get3A_5 = arith.constant 0 : index
    %get3A_6 = vector.load %arg6[%get3A_4, %get3A_5] : memref<128x128xf32, #tpu.memory_space<vmem>>, vector<128x128xf32>
    %dot_general3A = arith.constant dense<0.000000e+00> : vector<2000x128xf32>
    %dot_general3A_7 = tpu.matmul %get3A_3, %get3A_6, %dot_general3A {dimension_numbers = #tpu.dot_dimension_numbers<[1], [0], [0], [1], [0, 0, 1, 1], [], []>, transpose_lhs_hint = false} : vector<2000x128xf32>, vector<128x128xf32>, vector<2000x128xf32> -> vector<2000x128xf32>
    %get3A_8 = arith.constant 0 : index
    %get3A_9 = arith.constant 0 : index
    %get3A_10 = vector.load %arg7[%get3A_8, %get3A_9] : memref<1x128xf32, #tpu.memory_space<vmem>>, vector<1x128xf32>
    %add3A = vector.broadcast %get3A_10 : vector<1x128xf32> to vector<2000x128xf32>
    %add3A_11 = arith.addf %dot_general3A_7, %add3A : vector<2000x128xf32>
    %get3A_12 = arith.constant 0 : index
    %get3A_13 = arith.constant 0 : index
    %get3A_14 = arith.constant 0 : index
    %get3A_15 = vector.load %arg2[%get3A_12, %get3A_13, %get3A_14] : memref<1x2000x1xi32, #tpu.memory_space<vmem>>, vector<1x2000x1xi32>
    %get3A_16 = vector.shape_cast %get3A_15 : vector<1x2000x1xi32> to vector<2000x1xi32>
    %iota3A = tpu.iota {dimensions = array<i32: 1>} : vector<1x1024xi32>
    %eq3A_17 = vector.broadcast %get3A_16 : vector<2000x1xi32> to vector<2000x1024xi32>
    %eq3A_18 = vector.broadcast %iota3A : vector<1x1024xi32> to vector<2000x1024xi32>
    %eq3A_19 = arith.cmpi eq, %eq3A_17, %eq3A_18 : vector<2000x1024xi32>
    %convert_element_type3A_20 = arith.extui %eq3A_19 : vector<2000x1024xi1> to vector<2000x1024xi32>
    %convert_element_type3A_21 = arith.sitofp %convert_element_type3A_20 : vector<2000x1024xi32> to vector<2000x1024xf32>
    %convert_element_type3A_22 = arith.truncf %convert_element_type3A_21 : vector<2000x1024xf32> to vector<2000x1024xbf16>
    %get3A_23 = arith.constant 0 : index
    %get3A_24 = arith.constant 0 : index
    %get3A_25 = vector.load %arg13[%get3A_23, %get3A_24] : memref<1024x128xbf16, #tpu.memory_space<vmem>>, vector<1024x128xbf16>
    %dot_general3A_26 = arith.constant dense<0.000000e+00> : vector<2000x128xf32>
    %dot_general3A_27 = tpu.matmul %convert_element_type3A_22, %get3A_25, %dot_general3A_26 {dimension_numbers = #tpu.dot_dimension_numbers<[1], [0], [0], [1], [0, 0, 1, 1], [], []>, transpose_lhs_hint = false} : vector<2000x1024xbf16>, vector<1024x128xbf16>, vector<2000x128xf32> -> vector<2000x128xf32>
    %mul3A = arith.mulf %dot_general3A_27, %add3A_11 : vector<2000x128xf32>
    %iota3A_28 = tpu.iota {dimensions = array<i32: 0>} : vector<8x128xi32>
    %iota3A_29 = tpu.iota {dimensions = array<i32: 1>} : vector<8x128xi32>
    %jit3A = arith.constant 16 : i32
    %div3A = vector.broadcast %jit3A : i32 to vector<8x128xi32>
    %div3A_30 = arith.divsi %iota3A_29, %div3A : vector<8x128xi32>
    %sign3A = arith.constant 0 : i32
    %sign3A_31 = vector.broadcast %sign3A : i32 to vector<8x128xi32>
    %sign3A_32 = arith.cmpi sgt, %iota3A_29, %sign3A_31 : vector<8x128xi32>
    %sign3A_33 = arith.extui %sign3A_32 : vector<8x128xi1> to vector<8x128xi32>
    %sign3A_34 = arith.constant 0 : i32
    %sign3A_35 = vector.broadcast %sign3A_34 : i32 to vector<8x128xi32>
    %sign3A_36 = arith.cmpi slt, %iota3A_29, %sign3A_35 : vector<8x128xi32>
    %sign3A_37 = arith.extui %sign3A_36 : vector<8x128xi1> to vector<8x128xi32>
    %sign3A_38 = arith.subi %sign3A_33, %sign3A_37 : vector<8x128xi32>
    %sign3A_39 = arith.constant 0 : i32
    %sign3A_40 = arith.cmpi sgt, %jit3A, %sign3A_39 : i32
    %sign3A_41 = arith.extui %sign3A_40 : i1 to i32
    %sign3A_42 = arith.constant 0 : i32
    %sign3A_43 = arith.cmpi slt, %jit3A, %sign3A_42 : i32
    %sign3A_44 = arith.extui %sign3A_43 : i1 to i32
    %sign3A_45 = arith.subi %sign3A_41, %sign3A_44 : i32
    %ne3A = vector.broadcast %sign3A_45 : i32 to vector<8x128xi32>
    %ne3A_46 = arith.cmpi ne, %sign3A_38, %ne3A : vector<8x128xi32>
    %rem3A = vector.broadcast %jit3A : i32 to vector<8x128xi32>
    %rem3A_47 = arith.remsi %iota3A_29, %rem3A : vector<8x128xi32>
    %ne3A_48 = arith.constant 0 : i32
    %ne3A_49 = vector.broadcast %ne3A_48 : i32 to vector<8x128xi32>
    %ne3A_50 = arith.cmpi ne, %rem3A_47, %ne3A_49 : vector<8x128xi32>
    %and3A = arith.andi %ne3A_46, %ne3A_50 : vector<8x128xi1>
    %sub3A = arith.constant 1 : i32
    %sub3A_51 = vector.broadcast %sub3A : i32 to vector<8x128xi32>
    %sub3A_52 = arith.subi %div3A_30, %sub3A_51 : vector<8x128xi32>
    %select_n3A = arith.select %and3A, %sub3A_52, %div3A_30 : vector<8x128xi1>, vector<8x128xi32>
    %eq3A_53 = arith.cmpi eq, %iota3A_28, %select_n3A : vector<8x128xi32>
    %convert_element_type3A_54 = arith.extui %eq3A_53 : vector<8x128xi1> to vector<8x128xi32>
    %convert_element_type3A_55 = arith.sitofp %convert_element_type3A_54 : vector<8x128xi32> to vector<8x128xf32>
    %transpose3A = tpu.transpose %convert_element_type3A_55, [1, 0] : vector<8x128xf32> -> vector<128x8xf32>
    %dot_general3A_56 = arith.constant dense<0.000000e+00> : vector<2000x8xf32>
    %dot_general3A_57 = tpu.matmul %mul3A, %transpose3A, %dot_general3A_56 {dimension_numbers = #tpu.dot_dimension_numbers<[1], [0], [0], [1], [0, 0, 1, 1], [], []>, transpose_lhs_hint = false} : vector<2000x128xf32>, vector<128x8xf32>, vector<2000x8xf32> -> vector<2000x8xf32>
    %mul3A_58 = arith.constant 2.500000e-01 : f32
    %mul3A_59 = vector.broadcast %mul3A_58 : f32 to vector<2000x8xf32>
    %mul3A_60 = arith.mulf %dot_general3A_57, %mul3A_59 : vector<2000x8xf32>
    %exp3A = math.exp %mul3A_60 : vector<2000x8xf32>
    %get3A_61 = arith.constant 0 : index
    %get3A_62 = arith.constant 0 : index
    %get3A_63 = vector.load %arg1[%get3A_61, %get3A_62] : memref<2000x128xf32, #tpu.memory_space<vmem>>, vector<2000x128xf32>
    %get3A_64 = arith.constant 0 : index
    %get3A_65 = arith.constant 0 : index
    %get3A_66 = vector.load %arg8[%get3A_64, %get3A_65] : memref<128x128xf32, #tpu.memory_space<vmem>>, vector<128x128xf32>
    %dot_general3A_67 = arith.constant dense<0.000000e+00> : vector<2000x128xf32>
    %dot_general3A_68 = tpu.matmul %get3A_63, %get3A_66, %dot_general3A_67 {dimension_numbers = #tpu.dot_dimension_numbers<[1], [0], [0], [1], [0, 0, 1, 1], [], []>, transpose_lhs_hint = false} : vector<2000x128xf32>, vector<128x128xf32>, vector<2000x128xf32> -> vector<2000x128xf32>
    %get3A_69 = arith.constant 0 : index
    %get3A_70 = arith.constant 0 : index
    %get3A_71 = vector.load %arg9[%get3A_69, %get3A_70] : memref<1x128xf32, #tpu.memory_space<vmem>>, vector<1x128xf32>
    %add3A_72 = vector.broadcast %get3A_71 : vector<1x128xf32> to vector<2000x128xf32>
    %add3A_73 = arith.addf %dot_general3A_68, %add3A_72 : vector<2000x128xf32>
    %iota3A_74 = tpu.iota {dimensions = array<i32: 0>} : vector<8x128xi32>
    %iota3A_75 = tpu.iota {dimensions = array<i32: 1>} : vector<8x128xi32>
    %jit3A_76 = arith.constant 16 : i32
    %div3A_77 = vector.broadcast %jit3A_76 : i32 to vector<8x128xi32>
    %div3A_78 = arith.divsi %iota3A_75, %div3A_77 : vector<8x128xi32>
    %sign3A_79 = arith.constant 0 : i32
    %sign3A_80 = vector.broadcast %sign3A_79 : i32 to vector<8x128xi32>
    %sign3A_81 = arith.cmpi sgt, %iota3A_75, %sign3A_80 : vector<8x128xi32>
    %sign3A_82 = arith.extui %sign3A_81 : vector<8x128xi1> to vector<8x128xi32>
    %sign3A_83 = arith.constant 0 : i32
    %sign3A_84 = vector.broadcast %sign3A_83 : i32 to vector<8x128xi32>
    %sign3A_85 = arith.cmpi slt, %iota3A_75, %sign3A_84 : vector<8x128xi32>
    %sign3A_86 = arith.extui %sign3A_85 : vector<8x128xi1> to vector<8x128xi32>
    %sign3A_87 = arith.subi %sign3A_82, %sign3A_86 : vector<8x128xi32>
    %sign3A_88 = arith.constant 0 : i32
    %sign3A_89 = arith.cmpi sgt, %jit3A_76, %sign3A_88 : i32
    %sign3A_90 = arith.extui %sign3A_89 : i1 to i32
    %sign3A_91 = arith.constant 0 : i32
    %sign3A_92 = arith.cmpi slt, %jit3A_76, %sign3A_91 : i32
    %sign3A_93 = arith.extui %sign3A_92 : i1 to i32
    %sign3A_94 = arith.subi %sign3A_90, %sign3A_93 : i32
    %ne3A_95 = vector.broadcast %sign3A_94 : i32 to vector<8x128xi32>
    %ne3A_96 = arith.cmpi ne, %sign3A_87, %ne3A_95 : vector<8x128xi32>
    %rem3A_97 = vector.broadcast %jit3A_76 : i32 to vector<8x128xi32>
    %rem3A_98 = arith.remsi %iota3A_75, %rem3A_97 : vector<8x128xi32>
    %ne3A_99 = arith.constant 0 : i32
    %ne3A_100 = vector.broadcast %ne3A_99 : i32 to vector<8x128xi32>
    %ne3A_101 = arith.cmpi ne, %rem3A_98, %ne3A_100 : vector<8x128xi32>
    %and3A_102 = arith.andi %ne3A_96, %ne3A_101 : vector<8x128xi1>
    %sub3A_103 = arith.constant 1 : i32
    %sub3A_104 = vector.broadcast %sub3A_103 : i32 to vector<8x128xi32>
    %sub3A_105 = arith.subi %div3A_78, %sub3A_104 : vector<8x128xi32>
    %select_n3A_106 = arith.select %and3A_102, %sub3A_105, %div3A_78 : vector<8x128xi1>, vector<8x128xi32>
    %eq3A_107 = arith.cmpi eq, %iota3A_74, %select_n3A_106 : vector<8x128xi32>
    %convert_element_type3A_108 = arith.extui %eq3A_107 : vector<8x128xi1> to vector<8x128xi32>
    %convert_element_type3A_109 = arith.sitofp %convert_element_type3A_108 : vector<8x128xi32> to vector<8x128xf32>
    %dot_general3A_110 = arith.constant dense<0.000000e+00> : vector<2000x128xf32>
    %dot_general3A_111 = tpu.matmul %exp3A, %convert_element_type3A_109, %dot_general3A_110 {dimension_numbers = #tpu.dot_dimension_numbers<[1], [0], [0], [1], [0, 0, 1, 1], [], []>, transpose_lhs_hint = false} : vector<2000x8xf32>, vector<8x128xf32>, vector<2000x128xf32> -> vector<2000x128xf32>
    %mul3A_112 = arith.mulf %add3A_73, %dot_general3A_111 : vector<2000x128xf32>
    %swap3A = arith.constant 0 : index
    %swap3A_113 = arith.constant 0 : index
    %swap3A_114 = vector.load %arg10[%swap3A, %swap3A_113] : memref<2000x128xf32, #tpu.memory_space<vmem>>, vector<2000x128xf32>
    tpu.vector_store %arg10[%swap3A, %swap3A_113], %mul3A_112 {strides = array<i32>} : memref<2000x128xf32, #tpu.memory_space<vmem>>, vector<2000x128xf32>,
    %iota3A_115 = tpu.iota {dimensions = array<i32: 0>} : vector<8x16xi32>
    %iota3A_116 = tpu.iota {dimensions = array<i32: 1>} : vector<8x16xi32>
    %eq3A_117 = arith.cmpi eq, %iota3A_115, %iota3A_116 : vector<8x16xi32>
    %convert_element_type3A_118 = arith.extui %eq3A_117 : vector<8x16xi1> to vector<8x16xi32>
    %convert_element_type3A_119 = arith.sitofp %convert_element_type3A_118 : vector<8x16xi32> to vector<8x16xf32>
    %iota3A_120 = tpu.iota {dimensions = array<i32: 1>} : vector<2000x16xi32>
    %eq3A_121 = arith.constant 8 : i32
    %eq3A_122 = vector.broadcast %eq3A_121 : i32 to vector<2000x16xi32>
    %eq3A_123 = arith.cmpi eq, %iota3A_120, %eq3A_122 : vector<2000x16xi32>
    %convert_element_type3A_124 = arith.extui %eq3A_123 : vector<2000x16xi1> to vector<2000x16xi32>
    %convert_element_type3A_125 = arith.sitofp %convert_element_type3A_124 : vector<2000x16xi32> to vector<2000x16xf32>
    %dot_general3A_126 = arith.constant dense<0.000000e+00> : vector<2000x16xf32>
    %dot_general3A_127 = tpu.matmul %exp3A, %convert_element_type3A_119, %dot_general3A_126 {dimension_numbers = #tpu.dot_dimension_numbers<[1], [0], [0], [1], [0, 0, 1, 1], [], []>, transpose_lhs_hint = false} : vector<2000x8xf32>, vector<8x16xf32>, vector<2000x16xf32> -> vector<2000x16xf32>
    %add3A_128 = arith.addf %dot_general3A_127, %convert_element_type3A_125 : vector<2000x16xf32>
    %get3A_129 = arith.constant 0 : index
    %get3A_130 = arith.constant 0 : index
    %get3A_131 = vector.load %arg12[%get3A_129, %get3A_130] : memref<1024x16xf32, #tpu.memory_space<vmem>>, vector<1024x16xf32>
    %convert_element_type3A_132 = arith.truncf %add3A_128 : vector<2000x16xf32> to vector<2000x16xbf16>
    %dot_general3A_133 = arith.constant dense<0.000000e+00> : vector<1024x16xf32>
    %dot_general3A_134 = tpu.matmul %convert_element_type3A_22, %convert_element_type3A_132, %dot_general3A_133 {dimension_numbers = #tpu.dot_dimension_numbers<[0], [0], [1], [1], [0, 1, 1, 1], [], []>, transpose_lhs_hint = false} : vector<2000x1024xbf16>, vector<2000x16xbf16>, vector<1024x16xf32> -> vector<1024x16xf32>
    %add3A_135 = arith.addf %get3A_131, %dot_general3A_134 : vector<1024x16xf32>
    %swap3A_136 = arith.constant 0 : index
    %swap3A_137 = arith.constant 0 : index
    %swap3A_138 = vector.load %arg12[%swap3A_136, %swap3A_137] : memref<1024x16xf32, #tpu.memory_space<vmem>>, vector<1024x16xf32>
    tpu.vector_store %arg12[%swap3A_136, %swap3A_137], %add3A_135 {strides = array<i32>} : memref<1024x16xf32, #tpu.memory_space<vmem>>, vector<1024x16xf32>,
    %eq3A_139 = arith.constant 49 : i32
    %eq3A_140 = arith.cmpi eq, %arg0, %eq3A_139 : i32
    %convert_element_type3A_141 = arith.extui %eq3A_140 : i1 to i32
    %cond3A_142 = arith.constant 0 : i32
    %cond3A_143 = arith.cmpi ne, %convert_element_type3A_141, %cond3A_142 : i32
    scf.if %cond3A_143 {
      %get3A_144 = arith.constant 0 : index
      %get3A_145 = arith.constant 0 : index
      %get3A_146 = vector.load %arg12[%get3A_144, %get3A_145] : memref<1024x16xf32, #tpu.memory_space<vmem>>, vector<1024x16xf32>
      %swap3A_147 = arith.constant 0 : index
      %swap3A_148 = arith.constant 0 : index
      %swap3A_149 = vector.load %arg11[%swap3A_147, %swap3A_148] : memref<1024x16xf32, #tpu.memory_space<vmem>>, vector<1024x16xf32>
      tpu.vector_store %arg11[%swap3A_147, %swap3A_148], %get3A_146 {strides = array<i32>} : memref<1024x16xf32, #tpu.memory_space<vmem>>, vector<1024x16xf32>,
    } else {
    }
    return
  }
  func.func @transform_0(%arg0: i32) -> (i32, i32) {
    %c0_i32 = arith.constant 0 : i32
    %c0_i32_0 = arith.constant 0 : i32
    return %arg0, %c0_i32 : i32, i32
  }
  func.func @transform_1(%arg0: i32) -> (i32, i32, i32) {
    %c0_i32 = arith.constant 0 : i32
    %c0_i32_0 = arith.constant 0 : i32
    %c0_i32_1 = arith.constant 0 : i32
    return %arg0, %c0_i32, %c0_i32_0 : i32, i32, i32
  }
  func.func @transform_2(%arg0: i32) -> (i32, i32) {
    %c0_i32 = arith.constant 0 : i32
    %c0_i32_0 = arith.constant 0 : i32
    %c0_i32_1 = arith.constant 0 : i32
    return %c0_i32, %c0_i32_0 : i32, i32
  }
  func.func @transform_3(%arg0: i32) -> (i32, i32) {
    %c0_i32 = arith.constant 0 : i32
    %c0_i32_0 = arith.constant 0 : i32
    %c0_i32_1 = arith.constant 0 : i32
    return %c0_i32, %c0_i32_0 : i32, i32
  }
  func.func @transform_4(%arg0: i32) -> (i32, i32) {
    %c0_i32 = arith.constant 0 : i32
    %c0_i32_0 = arith.constant 0 : i32
    %c0_i32_1 = arith.constant 0 : i32
    return %c0_i32, %c0_i32_0 : i32, i32
  }
  func.func @transform_5(%arg0: i32) -> (i32, i32) {
    %c0_i32 = arith.constant 0 : i32
    %c0_i32_0 = arith.constant 0 : i32
    %c0_i32_1 = arith.constant 0 : i32
    return %c0_i32, %c0_i32_0 : i32, i32
  }
  func.func @transform_6(%arg0: i32) -> (i32, i32) {
    %c0_i32 = arith.constant 0 : i32
    %c0_i32_0 = arith.constant 0 : i32
    %c0_i32_1 = arith.constant 0 : i32
    return %c0_i32, %c0_i32_0 : i32, i32
  }
  func.func @transform_7(%arg0: i32) -> (i32, i32) {
    %c0_i32 = arith.constant 0 : i32
    %c0_i32_0 = arith.constant 0 : i32
    %c0_i32_1 = arith.constant 0 : i32
    return %c0_i32, %c0_i32_0 : i32, i32
  }
  func.func @transform_8(%arg0: i32) -> (i32, i32) {
    %c0_i32 = arith.constant 0 : i32
    %c0_i32_0 = arith.constant 0 : i32
    %c0_i32_1 = arith.constant 0 : i32
    return %c0_i32, %c0_i32_0 : i32, i32
  }
  func.func @transform_9(%arg0: i32) -> (i32, i32) {
    %c0_i32 = arith.constant 0 : i32
    %c0_i32_0 = arith.constant 0 : i32
    return %arg0, %c0_i32 : i32, i32
  }
  func.func @transform_10(%arg0: i32) -> (i32, i32) {
    %c0_i32 = arith.constant 0 : i32
    %c0_i32_0 = arith.constant 0 : i32
    %c0_i32_1 = arith.constant 0 : i32
    return %c0_i32, %c0_i32_0 : i32, i32
  }
}

module attributes {stable_mosaic.version = 14 : i64} {
  func.func @_cell_kernel(%arg0: i32, %arg1: memref<2000x128xf32, #tpu.memory_space<vmem>>, %arg2: memref<1x2000x1xi32, #tpu.memory_space<vmem>>, %arg3: memref<2x1024x128xf32, #tpu.memory_space<vmem>>, %arg4: memref<1024x16xf32, #tpu.memory_space<vmem>>, %arg5: memref<1024x128xf32, #tpu.memory_space<vmem>>, %arg6: memref<128x128xf32, #tpu.memory_space<vmem>>, %arg7: memref<1x128xf32, #tpu.memory_space<vmem>>, %arg8: memref<128x128xf32, #tpu.memory_space<vmem>>, %arg9: memref<1x128xf32, #tpu.memory_space<vmem>>, %arg10: memref<128x128xf32, #tpu.memory_space<vmem>>, %arg11: memref<1x128xf32, #tpu.memory_space<vmem>>, %arg12: memref<1x128xf32, #tpu.memory_space<vmem>>, %arg13: memref<1x128xf32, #tpu.memory_space<vmem>>, %arg14: memref<1x128xf32, #tpu.memory_space<vmem>>, %arg15: memref<1x128xf32, #tpu.memory_space<vmem>>, %arg16: memref<1024x128xf32, #tpu.memory_space<vmem>>, %arg17: memref<2000x128xf32, #tpu.memory_space<vmem>>, %arg18: memref<1024x128xbf16, #tpu.memory_space<vmem>>) attributes {dimension_semantics = [#tpu.dimension_semantics<arbitrary>], iteration_bounds = array<i64: 50>, scalar_prefetch = 0 : i64, scratch_operands = 1 : i64, tpu.core_type = #tpu.core_type<tc>, window_params = [{transform_indices = @transform_0, window_bounds = array<i64: 2000, 128>}, {transform_indices = @transform_1, window_bounds = array<i64: 1, 2000, 1>}, {pipeline_mode = #tpu.pipeline_mode<synchronous>, transform_indices = @transform_2, window_bounds = array<i64: 2, 1024, 128>}, {pipeline_mode = #tpu.pipeline_mode<synchronous>, transform_indices = @transform_3, window_bounds = array<i64: 1024, 16>}, {pipeline_mode = #tpu.pipeline_mode<synchronous>, transform_indices = @transform_4, window_bounds = array<i64: 1024, 128>}, {pipeline_mode = #tpu.pipeline_mode<synchronous>, transform_indices = @transform_5, window_bounds = array<i64: 128, 128>}, {pipeline_mode = #tpu.pipeline_mode<synchronous>, transform_indices = @transform_6, window_bounds = array<i64: 1, 128>}, {pipeline_mode = #tpu.pipeline_mode<synchronous>, transform_indices = @transform_7, window_bounds = array<i64: 128, 128>}, {pipeline_mode = #tpu.pipeline_mode<synchronous>, transform_indices = @transform_8, window_bounds = array<i64: 1, 128>}, {pipeline_mode = #tpu.pipeline_mode<synchronous>, transform_indices = @transform_9, window_bounds = array<i64: 128, 128>}, {pipeline_mode = #tpu.pipeline_mode<synchronous>, transform_indices = @transform_10, window_bounds = array<i64: 1, 128>}, {pipeline_mode = #tpu.pipeline_mode<synchronous>, transform_indices = @transform_11, window_bounds = array<i64: 1, 128>}, {pipeline_mode = #tpu.pipeline_mode<synchronous>, transform_indices = @transform_12, window_bounds = array<i64: 1, 128>}, {pipeline_mode = #tpu.pipeline_mode<synchronous>, transform_indices = @transform_13, window_bounds = array<i64: 1, 128>}, {pipeline_mode = #tpu.pipeline_mode<synchronous>, transform_indices = @transform_14, window_bounds = array<i64: 1, 128>}, {pipeline_mode = #tpu.pipeline_mode<synchronous>, transform_indices = @transform_15, window_bounds = array<i64: 1024, 128>}, {transform_indices = @transform_16, window_bounds = array<i64: 2000, 128>}]} {
    %eq3A = arith.constant 0 : i32
    %eq3A_0 = arith.cmpi eq, %arg0, %eq3A : i32
    %convert_element_type3A = arith.extui %eq3A_0 : i1 to i32
    %cond3A = arith.constant 0 : i32
    %cond3A_1 = arith.cmpi ne, %convert_element_type3A, %cond3A : i32
    scf.if %cond3A_1 {
      %get3A_47 = arith.constant 0 : index
      %get3A_48 = arith.constant 0 : index
      %get3A_49 = vector.load %arg4[%get3A_47, %get3A_48] : memref<1024x16xf32, #tpu.memory_space<vmem>>, vector<1024x16xf32>
      %get3A_50 = arith.constant 0 : index
      %get3A_51 = arith.constant 0 : index
      %get3A_52 = arith.constant 0 : index
      %get3A_53 = vector.load %arg3[%get3A_50, %get3A_51, %get3A_52] : memref<2x1024x128xf32, #tpu.memory_space<vmem>>, vector<1x1024x128xf32>
      %get3A_54 = vector.shape_cast %get3A_53 : vector<1x1024x128xf32> to vector<1024x128xf32>
      %get3A_55 = arith.constant 1 : index
      %get3A_56 = arith.constant 0 : index
      %get3A_57 = arith.constant 0 : index
      %get3A_58 = vector.load %arg3[%get3A_55, %get3A_56, %get3A_57] : memref<2x1024x128xf32, #tpu.memory_space<vmem>>, vector<1x1024x128xf32>
      %get3A_59 = vector.shape_cast %get3A_58 : vector<1x1024x128xf32> to vector<1024x128xf32>
      %add3A_60 = arith.addf %get3A_54, %get3A_59 : vector<1024x128xf32>
      %slice3A = vector.extract_strided_slice %get3A_49 {offsets = [0, 8], sizes = [1024, 1], strides = [1, 1]} : vector<1024x16xf32> to vector<1024x1xf32>
      %gt3A = arith.constant 5.000000e-01 : f32
      %gt3A_61 = vector.broadcast %gt3A : f32 to vector<1024x1xf32>
      %gt3A_62 = arith.cmpf ogt, %slice3A, %gt3A_61 : vector<1024x1xf32>
      %slice3A_63 = vector.extract_strided_slice %get3A_49 {offsets = [0, 0], sizes = [1024, 8], strides = [1, 1]} : vector<1024x16xf32> to vector<1024x8xf32>
      %eq3A_64 = arith.constant 0.000000e+00 : f32
      %eq3A_65 = vector.broadcast %eq3A_64 : f32 to vector<1024x8xf32>
      %eq3A_66 = arith.cmpf oeq, %slice3A_63, %eq3A_65 : vector<1024x8xf32>
      %jit3A = arith.constant 1.000000e+00 : f32
      %broadcast_in_dim3A_67 = vector.broadcast %jit3A : f32 to vector<1024x8xf32>
      %select_n3A = arith.select %eq3A_66, %broadcast_in_dim3A_67, %slice3A_63 : vector<1024x8xi1>, vector<1024x8xf32>
      %div3A_68 = arith.constant 1.000000e+00 : f32
      %div3A_69 = vector.broadcast %div3A_68 : f32 to vector<1024x8xf32>
      %div3A_70 = arith.divf %div3A_69, %select_n3A : vector<1024x8xf32>
      %iota3A_71 = tpu.iota {dimensions = array<i32: 0>} : vector<8x128xi32>
      %iota3A_72 = tpu.iota {dimensions = array<i32: 1>} : vector<8x128xi32>
      %jit3A_73 = arith.constant 16 : i32
      %div3A_74 = vector.broadcast %jit3A_73 : i32 to vector<8x128xi32>
      %div3A_75 = arith.divsi %iota3A_72, %div3A_74 : vector<8x128xi32>
      %sign3A = arith.constant 0 : i32
      %sign3A_76 = vector.broadcast %sign3A : i32 to vector<8x128xi32>
      %sign3A_77 = arith.cmpi sgt, %iota3A_72, %sign3A_76 : vector<8x128xi32>
      %sign3A_78 = arith.extui %sign3A_77 : vector<8x128xi1> to vector<8x128xi32>
      %sign3A_79 = arith.constant 0 : i32
      %sign3A_80 = vector.broadcast %sign3A_79 : i32 to vector<8x128xi32>
      %sign3A_81 = arith.cmpi slt, %iota3A_72, %sign3A_80 : vector<8x128xi32>
      %sign3A_82 = arith.extui %sign3A_81 : vector<8x128xi1> to vector<8x128xi32>
      %sign3A_83 = arith.subi %sign3A_78, %sign3A_82 : vector<8x128xi32>
      %sign3A_84 = arith.constant 0 : i32
      %sign3A_85 = arith.cmpi sgt, %jit3A_73, %sign3A_84 : i32
      %sign3A_86 = arith.extui %sign3A_85 : i1 to i32
      %sign3A_87 = arith.constant 0 : i32
      %sign3A_88 = arith.cmpi slt, %jit3A_73, %sign3A_87 : i32
      %sign3A_89 = arith.extui %sign3A_88 : i1 to i32
      %sign3A_90 = arith.subi %sign3A_86, %sign3A_89 : i32
      %ne3A = vector.broadcast %sign3A_90 : i32 to vector<8x128xi32>
      %ne3A_91 = arith.cmpi ne, %sign3A_83, %ne3A : vector<8x128xi32>
      %rem3A = vector.broadcast %jit3A_73 : i32 to vector<8x128xi32>
      %rem3A_92 = arith.remsi %iota3A_72, %rem3A : vector<8x128xi32>
      %ne3A_93 = arith.constant 0 : i32
      %ne3A_94 = vector.broadcast %ne3A_93 : i32 to vector<8x128xi32>
      %ne3A_95 = arith.cmpi ne, %rem3A_92, %ne3A_94 : vector<8x128xi32>
      %and3A = arith.andi %ne3A_91, %ne3A_95 : vector<8x128xi1>
      %sub3A_96 = arith.constant 1 : i32
      %sub3A_97 = vector.broadcast %sub3A_96 : i32 to vector<8x128xi32>
      %sub3A_98 = arith.subi %div3A_75, %sub3A_97 : vector<8x128xi32>
      %select_n3A_99 = arith.select %and3A, %sub3A_98, %div3A_75 : vector<8x128xi1>, vector<8x128xi32>
      %eq3A_100 = arith.cmpi eq, %iota3A_71, %select_n3A_99 : vector<8x128xi32>
      %convert_element_type3A_101 = arith.extui %eq3A_100 : vector<8x128xi1> to vector<8x128xi32>
      %convert_element_type3A_102 = arith.sitofp %convert_element_type3A_101 : vector<8x128xi32> to vector<8x128xf32>
      %dot_general3A_103 = arith.constant dense<0.000000e+00> : vector<1024x128xf32>
      %dot_general3A_104 = tpu.matmul %div3A_70, %convert_element_type3A_102, %dot_general3A_103 {dimension_numbers = #tpu.dot_dimension_numbers<[1], [0], [0], [1], [0, 0, 1, 1], [], []>, transpose_lhs_hint = false} : vector<1024x8xf32>, vector<8x128xf32>, vector<1024x128xf32> -> vector<1024x128xf32>
      %mul3A_105 = arith.mulf %add3A_60, %dot_general3A_104 : vector<1024x128xf32>
      %get3A_106 = arith.constant 0 : index
      %get3A_107 = arith.constant 0 : index
      %get3A_108 = vector.load %arg6[%get3A_106, %get3A_107] : memref<128x128xf32, #tpu.memory_space<vmem>>, vector<128x128xf32>
      %dot_general3A_109 = arith.constant dense<0.000000e+00> : vector<1024x128xf32>
      %dot_general3A_110 = tpu.matmul %mul3A_105, %get3A_108, %dot_general3A_109 {dimension_numbers = #tpu.dot_dimension_numbers<[1], [0], [0], [1], [0, 0, 1, 1], [], []>, transpose_lhs_hint = false} : vector<1024x128xf32>, vector<128x128xf32>, vector<1024x128xf32> -> vector<1024x128xf32>
      %get3A_111 = arith.constant 0 : index
      %get3A_112 = arith.constant 0 : index
      %get3A_113 = vector.load %arg7[%get3A_111, %get3A_112] : memref<1x128xf32, #tpu.memory_space<vmem>>, vector<1x128xf32>
      %add3A_114 = vector.broadcast %get3A_113 : vector<1x128xf32> to vector<1024x128xf32>
      %add3A_115 = arith.addf %dot_general3A_110, %add3A_114 : vector<1024x128xf32>
      %get3A_116 = arith.constant 0 : index
      %get3A_117 = arith.constant 0 : index
      %get3A_118 = vector.load %arg5[%get3A_116, %get3A_117] : memref<1024x128xf32, #tpu.memory_space<vmem>>, vector<1024x128xf32>
      %broadcast_in_dim3A_119 = vector.shape_cast %gt3A_62 : vector<1024x1xi1> to vector<1024x1xi1>
      %broadcast_in_dim3A_120 = vector.broadcast %broadcast_in_dim3A_119 : vector<1024x1xi1> to vector<1024x128xi1>
      %select_n3A_121 = arith.select %broadcast_in_dim3A_120, %add3A_115, %get3A_118 : vector<1024x128xi1>, vector<1024x128xf32>
      %get3A_122 = arith.constant 0 : index
      %get3A_123 = arith.constant 0 : index
      %get3A_124 = vector.load %arg8[%get3A_122, %get3A_123] : memref<128x128xf32, #tpu.memory_space<vmem>>, vector<128x128xf32>
      %dot_general3A_125 = arith.constant dense<0.000000e+00> : vector<1024x128xf32>
      %dot_general3A_126 = tpu.matmul %select_n3A_121, %get3A_124, %dot_general3A_125 {dimension_numbers = #tpu.dot_dimension_numbers<[1], [0], [0], [1], [0, 0, 1, 1], [], []>, transpose_lhs_hint = false} : vector<1024x128xf32>, vector<128x128xf32>, vector<1024x128xf32> -> vector<1024x128xf32>
      %get3A_127 = arith.constant 0 : index
      %get3A_128 = arith.constant 0 : index
      %get3A_129 = vector.load %arg9[%get3A_127, %get3A_128] : memref<1x128xf32, #tpu.memory_space<vmem>>, vector<1x128xf32>
      %add3A_130 = vector.broadcast %get3A_129 : vector<1x128xf32> to vector<1024x128xf32>
      %add3A_131 = arith.addf %dot_general3A_126, %add3A_130 : vector<1024x128xf32>
      %get3A_132 = arith.constant 0 : index
      %get3A_133 = arith.constant 0 : index
      %get3A_134 = vector.load %arg10[%get3A_132, %get3A_133] : memref<128x128xf32, #tpu.memory_space<vmem>>, vector<128x128xf32>
      %dot_general3A_135 = arith.constant dense<0.000000e+00> : vector<1024x128xf32>
      %dot_general3A_136 = tpu.matmul %add3A_131, %get3A_134, %dot_general3A_135 {dimension_numbers = #tpu.dot_dimension_numbers<[1], [0], [0], [1], [0, 0, 1, 1], [], []>, transpose_lhs_hint = false} : vector<1024x128xf32>, vector<128x128xf32>, vector<1024x128xf32> -> vector<1024x128xf32>
      %get3A_137 = arith.constant 0 : index
      %get3A_138 = arith.constant 0 : index
      %get3A_139 = vector.load %arg11[%get3A_137, %get3A_138] : memref<1x128xf32, #tpu.memory_space<vmem>>, vector<1x128xf32>
      %add3A_140 = vector.broadcast %get3A_139 : vector<1x128xf32> to vector<1024x128xf32>
      %add3A_141 = arith.addf %dot_general3A_136, %add3A_140 : vector<1024x128xf32>
      %convert_element_type3A_142 = arith.truncf %add3A_141 : vector<1024x128xf32> to vector<1024x128xbf16>
      %swap3A_143 = arith.constant 0 : index
      %swap3A_144 = arith.constant 0 : index
      %swap3A_145 = vector.load %arg18[%swap3A_143, %swap3A_144] : memref<1024x128xbf16, #tpu.memory_space<vmem>>, vector<1024x128xbf16>
      tpu.vector_store %arg18[%swap3A_143, %swap3A_144], %convert_element_type3A_142 {strides = array<i32>} : memref<1024x128xbf16, #tpu.memory_space<vmem>>, vector<1024x128xbf16>,
      %add3A_146 = arith.addf %get3A_118, %select_n3A_121 : vector<1024x128xf32>
      %get3A_147 = arith.constant 0 : index
      %get3A_148 = arith.constant 0 : index
      %get3A_149 = vector.load %arg12[%get3A_147, %get3A_148] : memref<1x128xf32, #tpu.memory_space<vmem>>, vector<1x128xf32>
      %get3A_150 = arith.constant 0 : index
      %get3A_151 = arith.constant 0 : index
      %get3A_152 = vector.load %arg13[%get3A_150, %get3A_151] : memref<1x128xf32, #tpu.memory_space<vmem>>, vector<1x128xf32>
      %reduce_sum3A_153 = arith.constant dense<0.000000e+00> : vector<1024xf32>
      %reduce_sum3A_154 = vector.multi_reduction <add>, %add3A_146, %reduce_sum3A_153 [1] : vector<1024x128xf32> to vector<1024xf32>
      %broadcast_in_dim3A_155 = vector.shape_cast %reduce_sum3A_154 : vector<1024xf32> to vector<1024x1xf32>
      %div3A_156 = arith.constant 1.280000e+02 : f32
      %div3A_157 = vector.broadcast %div3A_156 : f32 to vector<1024x1xf32>
      %div3A_158 = arith.divf %broadcast_in_dim3A_155, %div3A_157 : vector<1024x1xf32>
      %sub3A_159 = vector.broadcast %div3A_158 : vector<1024x1xf32> to vector<1024x128xf32>
      %sub3A_160 = arith.subf %add3A_146, %sub3A_159 : vector<1024x128xf32>
      %integer_pow3A_161 = arith.mulf %sub3A_160, %sub3A_160 : vector<1024x128xf32>
      %reduce_sum3A_162 = arith.constant dense<0.000000e+00> : vector<1024xf32>
      %reduce_sum3A_163 = vector.multi_reduction <add>, %integer_pow3A_161, %reduce_sum3A_162 [1] : vector<1024x128xf32> to vector<1024xf32>
      %broadcast_in_dim3A_164 = vector.shape_cast %reduce_sum3A_163 : vector<1024xf32> to vector<1024x1xf32>
      %div3A_165 = arith.constant 1.280000e+02 : f32
      %div3A_166 = vector.broadcast %div3A_165 : f32 to vector<1024x1xf32>
      %div3A_167 = arith.divf %broadcast_in_dim3A_164, %div3A_166 : vector<1024x1xf32>
      %sub3A_168 = vector.broadcast %div3A_158 : vector<1024x1xf32> to vector<1024x128xf32>
      %sub3A_169 = arith.subf %add3A_146, %sub3A_168 : vector<1024x128xf32>
      %add3A_170 = arith.constant 9.99999974E-6 : f32
      %add3A_171 = vector.broadcast %add3A_170 : f32 to vector<1024x1xf32>
      %add3A_172 = arith.addf %div3A_167, %add3A_171 : vector<1024x1xf32>
      %rsqrt3A_173 = math.rsqrt %add3A_172 : vector<1024x1xf32>
      %mul3A_174 = vector.broadcast %rsqrt3A_173 : vector<1024x1xf32> to vector<1024x128xf32>
      %mul3A_175 = arith.mulf %sub3A_169, %mul3A_174 : vector<1024x128xf32>
      %mul3A_176 = vector.broadcast %get3A_149 : vector<1x128xf32> to vector<1024x128xf32>
      %mul3A_177 = arith.mulf %mul3A_175, %mul3A_176 : vector<1024x128xf32>
      %add3A_178 = vector.broadcast %get3A_152 : vector<1x128xf32> to vector<1024x128xf32>
      %add3A_179 = arith.addf %mul3A_177, %add3A_178 : vector<1024x128xf32>
      %swap3A_180 = arith.constant 0 : index
      %swap3A_181 = arith.constant 0 : index
      %swap3A_182 = vector.load %arg16[%swap3A_180, %swap3A_181] : memref<1024x128xf32, #tpu.memory_space<vmem>>, vector<1024x128xf32>
      tpu.vector_store %arg16[%swap3A_180, %swap3A_181], %add3A_179 {strides = array<i32>} : memref<1024x128xf32, #tpu.memory_space<vmem>>, vector<1024x128xf32>,
    } else {
    }
    %get3A = arith.constant 0 : index
    %get3A_2 = arith.constant 0 : index
    %get3A_3 = arith.constant 0 : index
    %get3A_4 = vector.load %arg2[%get3A, %get3A_2, %get3A_3] : memref<1x2000x1xi32, #tpu.memory_space<vmem>>, vector<1x2000x1xi32>
    %get3A_5 = vector.shape_cast %get3A_4 : vector<1x2000x1xi32> to vector<2000x1xi32>
    %iota3A = tpu.iota {dimensions = array<i32: 1>} : vector<1x1024xi32>
    %eq3A_6 = vector.broadcast %get3A_5 : vector<2000x1xi32> to vector<2000x1024xi32>
    %eq3A_7 = vector.broadcast %iota3A : vector<1x1024xi32> to vector<2000x1024xi32>
    %eq3A_8 = arith.cmpi eq, %eq3A_6, %eq3A_7 : vector<2000x1024xi32>
    %convert_element_type3A_9 = arith.extui %eq3A_8 : vector<2000x1024xi1> to vector<2000x1024xi32>
    %convert_element_type3A_10 = arith.sitofp %convert_element_type3A_9 : vector<2000x1024xi32> to vector<2000x1024xf32>
    %convert_element_type3A_11 = arith.truncf %convert_element_type3A_10 : vector<2000x1024xf32> to vector<2000x1024xbf16>
    %get3A_12 = arith.constant 0 : index
    %get3A_13 = arith.constant 0 : index
    %get3A_14 = vector.load %arg18[%get3A_12, %get3A_13] : memref<1024x128xbf16, #tpu.memory_space<vmem>>, vector<1024x128xbf16>
    %dot_general3A = arith.constant dense<0.000000e+00> : vector<2000x128xf32>
    %dot_general3A_15 = tpu.matmul %convert_element_type3A_11, %get3A_14, %dot_general3A {dimension_numbers = #tpu.dot_dimension_numbers<[1], [0], [0], [1], [0, 0, 1, 1], [], []>, transpose_lhs_hint = false} : vector<2000x1024xbf16>, vector<1024x128xbf16>, vector<2000x128xf32> -> vector<2000x128xf32>
    %get3A_16 = arith.constant 0 : index
    %get3A_17 = arith.constant 0 : index
    %get3A_18 = vector.load %arg1[%get3A_16, %get3A_17] : memref<2000x128xf32, #tpu.memory_space<vmem>>, vector<2000x128xf32>
    %add3A = arith.addf %get3A_18, %dot_general3A_15 : vector<2000x128xf32>
    %get3A_19 = arith.constant 0 : index
    %get3A_20 = arith.constant 0 : index
    %get3A_21 = vector.load %arg14[%get3A_19, %get3A_20] : memref<1x128xf32, #tpu.memory_space<vmem>>, vector<1x128xf32>
    %get3A_22 = arith.constant 0 : index
    %get3A_23 = arith.constant 0 : index
    %get3A_24 = vector.load %arg15[%get3A_22, %get3A_23] : memref<1x128xf32, #tpu.memory_space<vmem>>, vector<1x128xf32>
    %reduce_sum3A = arith.constant dense<0.000000e+00> : vector<2000xf32>
    %reduce_sum3A_25 = vector.multi_reduction <add>, %add3A, %reduce_sum3A [1] : vector<2000x128xf32> to vector<2000xf32>
    %broadcast_in_dim3A = vector.shape_cast %reduce_sum3A_25 : vector<2000xf32> to vector<2000x1xf32>
    %div3A = arith.constant 1.280000e+02 : f32
    %div3A_26 = vector.broadcast %div3A : f32 to vector<2000x1xf32>
    %div3A_27 = arith.divf %broadcast_in_dim3A, %div3A_26 : vector<2000x1xf32>
    %sub3A = vector.broadcast %div3A_27 : vector<2000x1xf32> to vector<2000x128xf32>
    %sub3A_28 = arith.subf %add3A, %sub3A : vector<2000x128xf32>
    %integer_pow3A = arith.mulf %sub3A_28, %sub3A_28 : vector<2000x128xf32>
    %reduce_sum3A_29 = arith.constant dense<0.000000e+00> : vector<2000xf32>
    %reduce_sum3A_30 = vector.multi_reduction <add>, %integer_pow3A, %reduce_sum3A_29 [1] : vector<2000x128xf32> to vector<2000xf32>
    %broadcast_in_dim3A_31 = vector.shape_cast %reduce_sum3A_30 : vector<2000xf32> to vector<2000x1xf32>
    %div3A_32 = arith.constant 1.280000e+02 : f32
    %div3A_33 = vector.broadcast %div3A_32 : f32 to vector<2000x1xf32>
    %div3A_34 = arith.divf %broadcast_in_dim3A_31, %div3A_33 : vector<2000x1xf32>
    %sub3A_35 = vector.broadcast %div3A_27 : vector<2000x1xf32> to vector<2000x128xf32>
    %sub3A_36 = arith.subf %add3A, %sub3A_35 : vector<2000x128xf32>
    %add3A_37 = arith.constant 9.99999974E-6 : f32
    %add3A_38 = vector.broadcast %add3A_37 : f32 to vector<2000x1xf32>
    %add3A_39 = arith.addf %div3A_34, %add3A_38 : vector<2000x1xf32>
    %rsqrt3A = math.rsqrt %add3A_39 : vector<2000x1xf32>
    %mul3A = vector.broadcast %rsqrt3A : vector<2000x1xf32> to vector<2000x128xf32>
    %mul3A_40 = arith.mulf %sub3A_36, %mul3A : vector<2000x128xf32>
    %mul3A_41 = vector.broadcast %get3A_21 : vector<1x128xf32> to vector<2000x128xf32>
    %mul3A_42 = arith.mulf %mul3A_40, %mul3A_41 : vector<2000x128xf32>
    %add3A_43 = vector.broadcast %get3A_24 : vector<1x128xf32> to vector<2000x128xf32>
    %add3A_44 = arith.addf %mul3A_42, %add3A_43 : vector<2000x128xf32>
    %swap3A = arith.constant 0 : index
    %swap3A_45 = arith.constant 0 : index
    %swap3A_46 = vector.load %arg17[%swap3A, %swap3A_45] : memref<2000x128xf32, #tpu.memory_space<vmem>>, vector<2000x128xf32>
    tpu.vector_store %arg17[%swap3A, %swap3A_45], %add3A_44 {strides = array<i32>} : memref<2000x128xf32, #tpu.memory_space<vmem>>, vector<2000x128xf32>,
    return
  }
  func.func @transform_0(%arg0: i32) -> (i32, i32) {
    %c0_i32 = arith.constant 0 : i32
    %c0_i32_0 = arith.constant 0 : i32
    return %arg0, %c0_i32 : i32, i32
  }
  func.func @transform_1(%arg0: i32) -> (i32, i32, i32) {
    %c0_i32 = arith.constant 0 : i32
    %c0_i32_0 = arith.constant 0 : i32
    %c0_i32_1 = arith.constant 0 : i32
    return %arg0, %c0_i32, %c0_i32_0 : i32, i32, i32
  }
  func.func @transform_2(%arg0: i32) -> (i32, i32, i32) {
    %c0_i32 = arith.constant 0 : i32
    %c0_i32_0 = arith.constant 0 : i32
    %c0_i32_1 = arith.constant 0 : i32
    %c0_i32_2 = arith.constant 0 : i32
    return %c0_i32, %c0_i32_0, %c0_i32_1 : i32, i32, i32
  }
  func.func @transform_3(%arg0: i32) -> (i32, i32) {
    %c0_i32 = arith.constant 0 : i32
    %c0_i32_0 = arith.constant 0 : i32
    %c0_i32_1 = arith.constant 0 : i32
    return %c0_i32, %c0_i32_0 : i32, i32
  }
  func.func @transform_4(%arg0: i32) -> (i32, i32) {
    %c0_i32 = arith.constant 0 : i32
    %c0_i32_0 = arith.constant 0 : i32
    %c0_i32_1 = arith.constant 0 : i32
    return %c0_i32, %c0_i32_0 : i32, i32
  }
  func.func @transform_5(%arg0: i32) -> (i32, i32) {
    %c0_i32 = arith.constant 0 : i32
    %c0_i32_0 = arith.constant 0 : i32
    %c0_i32_1 = arith.constant 0 : i32
    return %c0_i32, %c0_i32_0 : i32, i32
  }
  func.func @transform_6(%arg0: i32) -> (i32, i32) {
    %c0_i32 = arith.constant 0 : i32
    %c0_i32_0 = arith.constant 0 : i32
    %c0_i32_1 = arith.constant 0 : i32
    return %c0_i32, %c0_i32_0 : i32, i32
  }
  func.func @transform_7(%arg0: i32) -> (i32, i32) {
    %c0_i32 = arith.constant 0 : i32
    %c0_i32_0 = arith.constant 0 : i32
    %c0_i32_1 = arith.constant 0 : i32
    return %c0_i32, %c0_i32_0 : i32, i32
  }
  func.func @transform_8(%arg0: i32) -> (i32, i32) {
    %c0_i32 = arith.constant 0 : i32
    %c0_i32_0 = arith.constant 0 : i32
    %c0_i32_1 = arith.constant 0 : i32
    return %c0_i32, %c0_i32_0 : i32, i32
  }
  func.func @transform_9(%arg0: i32) -> (i32, i32) {
    %c0_i32 = arith.constant 0 : i32
    %c0_i32_0 = arith.constant 0 : i32
    %c0_i32_1 = arith.constant 0 : i32
    return %c0_i32, %c0_i32_0 : i32, i32
  }
  func.func @transform_10(%arg0: i32) -> (i32, i32) {
    %c0_i32 = arith.constant 0 : i32
    %c0_i32_0 = arith.constant 0 : i32
    %c0_i32_1 = arith.constant 0 : i32
    return %c0_i32, %c0_i32_0 : i32, i32
  }
  func.func @transform_11(%arg0: i32) -> (i32, i32) {
    %c0_i32 = arith.constant 0 : i32
    %c0_i32_0 = arith.constant 0 : i32
    %c0_i32_1 = arith.constant 0 : i32
    return %c0_i32, %c0_i32_0 : i32, i32
  }
  func.func @transform_12(%arg0: i32) -> (i32, i32) {
    %c0_i32 = arith.constant 0 : i32
    %c0_i32_0 = arith.constant 0 : i32
    %c0_i32_1 = arith.constant 0 : i32
    return %c0_i32, %c0_i32_0 : i32, i32
  }
  func.func @transform_13(%arg0: i32) -> (i32, i32) {
    %c0_i32 = arith.constant 0 : i32
    %c0_i32_0 = arith.constant 0 : i32
    %c0_i32_1 = arith.constant 0 : i32
    return %c0_i32, %c0_i32_0 : i32, i32
  }
  func.func @transform_14(%arg0: i32) -> (i32, i32) {
    %c0_i32 = arith.constant 0 : i32
    %c0_i32_0 = arith.constant 0 : i32
    %c0_i32_1 = arith.constant 0 : i32
    return %c0_i32, %c0_i32_0 : i32, i32
  }
  func.func @transform_15(%arg0: i32) -> (i32, i32) {
    %c0_i32 = arith.constant 0 : i32
    %c0_i32_0 = arith.constant 0 : i32
    %c0_i32_1 = arith.constant 0 : i32
    return %c0_i32, %c0_i32_0 : i32, i32
  }
  func.func @transform_16(%arg0: i32) -> (i32, i32) {
    %c0_i32 = arith.constant 0 : i32
    %c0_i32_0 = arith.constant 0 : i32
    return %arg0, %c0_i32 : i32, i32
  }
}

</mosaic_0001>

<sc_bundles>
// kernel: kernel.5.cloned.1.call-start
scs
__scs_entry_jumppad:
0x0: {  	(pc) =	sbr.rel $0x88, $3  }
0x1: {  	(tag) =	ssettag $0x0;
	lr =	simm.s32 $0x1  }
0x2: {  	[smem:$0x3F8E] =	sst lr;
	_ =	strace $0xD0000000  }
0x3: {  	_ = 	snop  }
0x4: {  	_ = 	snop  }
0x5: {  	_ = 	snop  }
0x6: {  	_ = 	snop  }
0x7: {  	_ = 	snop  }
__scs_overlays_trampoline_lowered:
0x8: {  	[smem:$0x3F9D] =	sst s0  }
0x9: {  	[smem:$0x3F9E] =	sst s1  }
0xa: {  	[smem:$0x3F9F] =	sst s2  }
0xb: {  	[smem:$0x3FA0] =	sst s3  }
0xc: {  	[smem:$0x3FA1] =	sst s4  }
0xd: {  	[smem:$0x3FA2] =	sst s5  }
0xe: {  	[smem:$0x3FA3] =	sst s6  }
0xf: {  	[smem:$0x3FA4] =	sst s7  }
0x10: {  	[smem:$0x3FA5] =	sst s8  }
0x11: {  	[smem:$0x3FA6] =	sst s9;
	s0 =	simm.s32 @!p0 $0x0  }
0x12: {  	s1 =	sld [smem:$0x3F8C];
	s0 =	simm.s32 @p0 $0x1  }
0x13: {  	[smem:$0x3FA7] =	sst s0;
	s0 =	simm.s32 @!p1 $0x0  }
0x14: {  	s2 =	sld [smem:$0x3F8B];
	s0 =	simm.s32 @p1 $0x1  }
0x15: {  	[smem:$0x3FA8] =	sst s0;
	s0 =	simm.s32 @!p2 $0x0  }
0x16: {  	s3 =	sld [smem:$0x3FDB];
	s0 =	simm.s32 @p2 $0x1  }
0x17: {  	s4 =	simm.s32 $0x1BF5;
	[smem:$0x3FAA] =	sst s0  }
0x18: {  	s0 =	sld [smem:$0x3F8D];
	_ =	swait.ge [sflag:s4], $0x0  }
0x19: {  	s7 =	sld [smem:$0x3F8E]  }
0x1a: {  	s8 =	sadd.s32 $0xFFFFE003, lr  }
0x1b: {  	s9 =	sadd.s32 $0xFFFFFEF7, lr;
	s5 =	simm.s32 $0xFFFFFFFF;
	p2 =	slt.u32 s8, $0xFFFFF086  }
0x1c: {  	p1 =	slt.u32 s9, $0xF7A;
	s5 =	simm.s32 @!p2 $0x0  }
0x1d: {  	s5 =	simm.s32 @p1 $0x1;
	p0 =	seq.s32 s7, s2  }
0x1e: {  	s7 =	smul.u32 @!p0 $0xF7A, s2;
	p2 =	seq.s32 @!p0 s5, $0x0  }
0x1f: {  	s9 =	smul.u32 $0xF7A, s1;
	s8 =	simm.s32 @!p0 $0x1BF5;
	p2 =	por !p2, p0  }
0x20: {  	[sflag:s8] =	ssyncset.s32 @!p0 $0xFFFFF086;
	s6 =	sadd.s32 @!p0 s3, s7;
	s7 =	simm.s32 @!p0 $0x108  }
0x21: {  	s3 =	sadd.s32 s3, s9;
	s6 =	sadd.s32 @!p0 $0x88, s6;
	s7 =	simm.s32 @p2 $0x1082  }
0x22: {  	[simem:s7], [sflag:s8] =	dma.local @!p0 [hbm:s6], $0xF7A  }
0x23: {  	s9 =	sor.u32 $0xD0000000, s2;
	s6 =	simm.s32 $0x108;
	_ =	swait.ge @!p0 [sflag:s8], $0x0  }
0x24: {  	s3 =	sadd.s32 $0x88, s3;
	s6 =	simm.s32 @!p1 $0x1082;
	[sflag:s4] =	ssyncset.s32 $0xFFFFF086  }
0x25: {  	[simem:s6], [sflag:s4] =	dma.local [hbm:s3], $0xF7A  }
0x26: {  	[smem:$0x3F8E] =	sst s1;
	(tag) =	ssettag s2;
	_ =	strace s9  }
0x27: {  	s1 =	sld [smem:$0x3F9E]  }
0x28: {  	s2 =	sld [smem:$0x3F9F]  }
0x29: {  	s4 =	sld [smem:$0x3FA1]  }
0x2a: {  	p0 =	seq.s32 s5, $0x0;
	s5 =	sld [smem:$0x3FA2]  }
0x2b: {  	s6 =	sld [smem:$0x3FA3]  }
0x2c: {  	s7 =	sld [smem:$0x3FA4]  }
0x2d: {  	s3 =	simm.s32 $0x108;
	s8 =	sld [smem:$0x3FA5]  }
0x2e: {  	s3 =	simm.s32 @!p0 $0x1082;
	s9 =	sld [smem:$0x3FA6]  }
0x2f: {  	lr =	sadd.s32 s0, s3;
	s0 =	sld [smem:$0x3F9D]  }
0x30: {  	s3 =	sld [smem:$0x3FA0]  }
0x31: {  	[smem:$0x3FA9] =	sst s10  }
0x32: {  	s10 =	sld [smem:$0x3FA7];
	_ =	sdelay $0x3  }
0x33: {  	p0 =	seq.s32 s10, $0x1;
	s10 =	sld [smem:$0x3FA9];
	_ =	sdelay $0x3  }
0x34: {  	[smem:$0x3FA9] =	sst s10  }
0x35: {  	s10 =	sld [smem:$0x3FA8];
	_ =	sdelay $0x3  }
0x36: {  	p1 =	seq.s32 s10, $0x1;
	s10 =	sld [smem:$0x3FA9];
	_ =	sdelay $0x3  }
0x37: {  	[smem:$0x3FA9] =	sst s10  }
0x38: {  	s10 =	sld [smem:$0x3FAA]  }
0x39: {  	_ = 	snop;
	(pc) =	sbr.ind lr, $3  }
0x3a: {  	_ = 	snop  }
0x3b: {  	_ = 	snop  }
0x3c: {  	p2 =	seq.s32 s10, $0x1;
	s10 =	sld [smem:$0x3FA9]  }
0x3d: {  	_ =	shalt  }
0x3e: {  	_ =	shalt  }
0x3f: {  	_ =	shalt  }
0x40: {  	_ =	shalt  }
0x41: {  	_ =	shalt  }
0x42: {  	_ =	shalt  }
0x43: {  	_ =	shalt  }
0x44: {  	_ =	shalt  }
0x45: {  	_ =	shalt  }
0x46: {  	_ =	shalt  }
0x47: {  	_ =	shalt  }
0x48: {  	_ =	shalt  }
0x49: {  	_ =	shalt  }
0x4a: {  	_ =	shalt  }
0x4b: {  	_ =	shalt  }
0x4c: {  	_ =	shalt  }
0x4d: {  	_ =	shalt  }
0x4e: {  	_ =	shalt  }
0x4f: {  	_ =	shalt  }
0x50: {  	_ =	shalt  }
0x51: {  	_ =	shalt  }
0x52: {  	_ =	shalt  }
0x53: {  	_ =	shalt  }
0x54: {  	_ =	shalt  }
0x55: {  	_ =	shalt  }
0x56: {  	_ =	shalt  }
0x57: {  	_ =	shalt  }
0x58: {  	_ =	shalt  }
0x59: {  	_ =	shalt  }
0x5a: {  	_ =	shalt  }
0x5b: {  	_ =	shalt  }
0x5c: {  	_ =	shalt  }
0x5d: {  	_ =	shalt  }
0x5e: {  	_ =	shalt  }
0x5f: {  	_ =	shalt  }
0x60: {  	_ =	shalt  }
0x61: {  	_ =	shalt  }
0x62: {  	_ =	shalt  }
0x63: {  	_ =	shalt  }
0x64: {  	_ =	shalt  }
0x65: {  	_ =	shalt  }
0x66: {  	_ =	shalt  }
0x67: {  	_ =	shalt  }
0x68: {  	_ =	shalt  }
0x69: {  	_ =	shalt  }
0x6a: {  	_ =	shalt  }
0x6b: {  	_ =	shalt  }
0x6c: {  	_ =	shalt  }
0x6d: {  	_ =	shalt  }
0x6e: {  	_ =	shalt  }
0x6f: {  	_ =	shalt  }
0x70: {  	_ =	shalt  }
0x71: {  	_ =	shalt  }
0x72: {  	_ =	shalt  }
0x73: {  	_ =	shalt  }
0x74: {  	_ =	shalt  }
0x75: {  	_ =	shalt  }
0x76: {  	_ =	shalt  }
0x77: {  	_ =	shalt  }
0x78: {  	_ =	shalt  }
0x79: {  	_ =	shalt  }
0x7a: {  	_ =	shalt  }
0x7b: {  	_ =	shalt  }
0x7c: {  	_ =	shalt  }
0x7d: {  	_ =	shalt  }
0x7e: {  	_ =	shalt  }
0x7f: {  	_ =	shalt  }
0x80: {  	_ =	shalt  }
0x81: {  	_ =	shalt  }
0x82: {  	_ =	shalt  }
0x83: {  	_ =	shalt  }
0x84: {  	_ =	shalt  }
0x85: {  	_ =	shalt  }
0x86: {  	_ =	shalt  }
0x87: {  	_ =	shalt  }
.Lfunc_end0:
.L_simem_size_0:
called_computation_lowered:
.L_overlay_start_0:
0x88: {  	s2 =	sld [smem:$0x3FD9]  }
0x89: {  	s3 =	sld [smem:$0x3FFE];
	_ =	sdelay $0x1  }
0x8a: {  	s1 =	srdreg.scid  }
0x8b: {  	s0 =	sand.u32 $0x1, s1  }
0x8c: {  	s14 =	sshll.u32 s0, $0xA;
	s2 =	sadd.s32 s3, s2  }
0x8d: {  	s2 =	sadd.s32 s2, s14  }
0x8e: {  	[smem:$0x3FB5] =	sst s2  }
0x8f: {  	_ = 	snop  }
0x90: {  	s2 =	sld [smem:$0x3FD0];
	_ =	sdelay $0x2  }
0x91: {  	s4 =	simm.s32 $0xA;
	s5 =	simm.s32 $0x10;
	s15 =	sld [smem:$0x3FC7]  }
0x92: {  	[smem:s5], [sflag:s4] =	dma.local [hbm:s2], $0x1  }
0x93: {  	_ =	swait.eq [sflag:s4], $0x1  }
0x94: {  	[sflag:s4] =	ssyncset.done $0x0  }
0x95: {  	s16 =	sld [smem:$0x10];
	[sflag:s4] =	ssyncadd.s32 $0xFFFFFFFF  }
0x96: {  	s17 =	sld [smem:$0x11];
	(tm) =	ssettm $0x1  }
0x97: {  	s18 =	sld [smem:$0x3FFB];
	_ =	sdelay $0x3  }
0x98: {  	_ =	strace s18  }
0x99: {  	s5 =	sld [smem:$0x3FFC];
	_ =	sdelay $0x3  }
0x9a: {  	_ =	strace s5  }
0x9b: {  	s5 =	sld [smem:$0x3FFD];
	_ =	sdelay $0x3  }
0x9c: {  	_ =	strace s5  }
0x9d: {  	_ =	strace $0x8FFFFFFF  }
0x9e: {  	s19 =	sld [smem:$0x3FDB];
	_ =	sdelay $0x1  }
0x9f: {  	s6 =	simm.s32 $_scs_section_size  }
0xa0: {  	s7 =	simm.s32 $_size__tile_overlayer_lowered;
	s8 =	simm.s32 $_tile_overlayer_lowered  }
0xa1: {  	s22 =	simm.s32 $0x1BFF;
	s21 =	sshll.u32 s8, $0x1;
	s5 =	sadd.s32 s6, s19  }
0xa2: {  	s9 =	simm.s32 $0x0;
	s20 =	sshll.u32 s7, $0x1;
	s7 =	sadd.s32 s21, s5  }
0xa3: {  	[timem:s9], [sflag:s22] =	dma.local [hbm:s7], s20  }
0xa4: {  	_ =	swait.ge [sflag:s22], s20  }
0xa5: {  	s6 =	ssub.s32 $0x0, s20;
	[sflag:s22] =	ssyncset.done $0x0  }
0xa6: {  	[sflag:s22] =	ssyncadd.s32 s6;
	_ =	sdelay $0x1  }
0xa7: {  	s23 =	simm.s32 $0x1B8B  }
0xa8: {  	_ =	swait.ge [sflag:s23], $0x1  }
0xa9: {  	[sflag:s23] =	ssyncset.done $0x0  }
0xaa: {  	s25 =	simm.s32 $0x1B8E;
	s24 =	sld [smem:$0x3FFE];
	[sflag:s23] =	ssyncadd.s32 $0xFFFFFFFF  }
0xab: {  	s26 =	simm.s32 $execute0_lowered;
	[smem:$0x3FD2] =	sst s25  }
0xac: {  	s7 =	sshll.u32 s26, $0x1;
	_ =	strace $0x80000046;
	[dreg:$0x1] =	wrdreg $0xFFFFFFFF  }
0xad: {  	s28 =	simm.s32 $_size_execute0_lowered;
	s5 =	sadd.s32 s5, s7;
	[dreg:$0x0] =	wrdreg $0x0  }
0xae: {  	s7 =	sshll.u32 s28, $0x1;
	[dreg:$0x2] =	wrdreg s5  }
0xaf: {  	[dreg:$0x3] =	wrdreg s7  }
0xb0: {  	[dreg:$0x4] =	wrdreg $0xC0  }
0xb1: {  	_ =	task [dreg:s9], $0x5FFFF  }
0xb2: {  	[dreg:$0x1] =	wrdreg $0xFFFFFFFF  }
0xb3: {  	[dreg:$0x0] =	wrdreg $0x60  }
0xb4: {  	[dreg:$0x2] =	wrdreg s16  }
0xb5: {  	[dreg:$0x3] =	wrdreg s15  }
0xb6: {  	[dreg:$0x4] =	wrdreg s17  }
0xb7: {  	[dreg:$0x5] =	wrdreg s24  }
0xb8: {  	[dreg:$0x6] =	wrdreg $0x28800  }
0xb9: {  	[dreg:$0x7] =	wrdreg $0x9  }
0xba: {  	_ =	task.clear_ibuf [dreg:s9], $0x8FFFF;
	_ =	strace $0x90000046  }
0xbb: {  	s29 =	simm.s32 $0x9;
	_ =	strace $0x80000048  }
0xbc: {  	_ =	swait.ge [sflag:s29], $0x1  }
0xbd: {  	[sflag:s29] =	ssyncadd.s32 $0xFFFFFFFF  }
0xbe: {  	_ =	strace $0x90000048  }
0xbf: {  	_ =	sfence  }
0xc0: {  	s30 =	sld [smem:$0x0];
	_ =	sdelay $0x2  }
0xc1: {  	s31 =	sshll.u32 s1, $0xD;
	s1 =	sshrl.u32 s1, $0x2  }
0xc2: {  	s3 =	sand.u32 $0x4000, s31;
	s1 =	sadd.s32 s1, s30  }
0xc3: {  	s0 =	sor.u32 s3, s0;
	s1 =	sshll.u32 s1, $0x11  }
0xc4: {  	s0 =	sor.u32 s1, s0  }
0xc5: {  	s0 =	sadd.s32 $0x8F2B, s0  }
0xc6: {  	[sflag:s0] =	ssyncadd.remote.s32 $0x1  }
0xc7: {  	_ =	sfence.sel $0xFFFF  }
0xc8: {  	[dreg:$0x0] =	wrdreg $0xFFFFFFFF;
	(pc) =	sbr.abs _section_cstart, $3  }
0xc9: {  	[dreg:$0x1] =	wrdreg $0xFFFFFFFF  }
0xca: {  	_ =	task.clear_ibuf [dreg:s9], $0x2FFFF;
	_ =	strace $0x9FFFFFFF  }
0xcb: {  	(tm) =	ssettm $0x7FFFFFFF  }
tec
execute0_lowered:
.L_overlay_start_1:
0x0: {  	(tag) =	ssettag $0x1  }
0x1: {  	s6 =	rddreg [dreg:$0x0]  }
0x2: {  	s7 =	rddreg [dreg:$0x1]  }
0x3: {  	s1 =	rddreg [dreg:$0x2]  }
0x4: {  	s4 =	rddreg [dreg:$0x3]  }
0x5: {  	s2 =	rddreg [dreg:$0x4]  }
0x6: {  	s0 =	rddreg [dreg:$0x5]  }
0x7: {  	s5 =	srdreg.scid;
	s8 =	stileid.u32  }
0x8: {  	s3 =	simm.s32 $0x0;
	s5 =	sand.u32 $0x1, s5;
	s9 =	smul.u32 $0x5000, s8  }
0x9: {  	s13 =	smul.u32 $0xA0, s8;
	[smem:$0x7FF] =	sst s3;
	p0 =	sne.s32 s8, $0x0  }
0xa: {  	s10 =	sshll.u32 s5, $0xE;
	s11 =	ssub.s32 $0x2, s5;
	s12 =	smul.u32 $0x2800, s5  }
0xb: {  	s29 =	smul.u32 $0x50, s5;
	_ =	strace $0x80000047;
	s28 =	sshrl.u32 s11, $0x1  }
0xc: {  	s8 =	sshrl.u32 @!p0 s2, $0x3;
	s4 =	sadd.s32 s10, s4;
	s10 =	ssub.s32 s11, s28  }
0xd: {  	s4 =	sadd.s32 $0x189600, s4;
	s9 =	sadd.s32 s12, s9;
	s30 =	sadd.s32 s29, s13  }
0xe: {  	s11 =	simm.s32 $0x50;
	s12 =	simm.s32 $0x0;
	s5 =	smax.u32 s10, $0x1  }
0xf: {  	s9 =	sshrl.u32 s9, $0x3;
	s31 =	sshrl.u32 s30, $0x3;
	s10 =	simm.s32 $0x80  }
0x10: {  	s6 =	sadd.s32 s9, s6;
	s7 =	sadd.s32 s31, s7;
	s9 =	simm.s32 $0x1  }
.LBB2_1:
0x11: {  	s14 =	simm.s32 @!p0 $0x1C01;
	s13 =	simm.s32 @!p0 $0x1  }
0x12: {  	[spmem:s8], [sflag:s14] =	dma.local @!p0 [hbm:s1], $0x4000  }
0x13: {  	_ =	swait.ge @!p0 [sflag:s13], $0x4000  }
0x14: {  	[sflag:s13] =	ssyncset.done @!p0 $0x0  }
0x15: {  	[sflag:s13] =	ssyncadd.s32 @!p0 $0xFFFFC000  }
0x16: {  	[bflag:$0x0] =	sbarrier.arrive $0xFFFF  }
0x17: {  	[tilespmem:s3], [sflag:$0x1] =	stream.linear.gather [hbm4b:s7+s3], $0x50, $0x38;
	[tilespmem:$0x4880] =	vst v63  }
0x18: {  	_ =	swait.ge [sflag:s9], $0x50  }
0x19: {  	s15 =	simm.s32 @!p0 $0x28;
	[sflag:s9] =	ssyncset.done $0x0  }
0x1a: {  	s15 =	simm.s32 @p0 $0x27;
	[sflag:s9] =	ssyncadd.s32 $0xFFFFFFB0  }
0x1b: {  	[tilespmem:s10], [sflag:$0x1] =	stream.linear.gather [hbm4b:s6+s3], $0x2800, $0x38;
	[tilespmem:$0x4880] =	vst v63  }
0x1c: {  	p1 =	sne.s32 s15, $0x1;
	_ =	swait.ge [sflag:s9], $0x2800  }
.Ltmp0:
0x1d: {  	[sflag:s9] =	ssyncset.done $0x0;
	(pc) =	sbr.rel @!p1 .LBB2_3-.Ltmp0, $4  }
0x1e: {  	[sflag:s9] =	ssyncadd.s32 $0xFFFFD800  }
0x1f: {  	[spmem:s2] =	stream.indirect.scatter.add.f32 [tilespmem:s10], [sflag:$0x1], $0x80, s3, s11, $0xb8;
	[tilespmem:$0x4880] =	vst v63  }
0x20: {  	s16 =	smov.u32 s6;
	_ =	swait.ge [sflag:s9], $0x2800  }
0x21: {  	s17 =	smov.u32 s7;
	s15 =	sadd.s32 $0xFFFFFFFF, s15;
	[sflag:s9] =	ssyncset.done $0x0  }
.LBB2_2:
0x22: {  	[sflag:s9] =	ssyncadd.s32 $0xFFFFD800;
	s16 =	sadd.s32 $0xA000, s16;
	s17 =	sadd.s32 $0x140, s17  }
0x23: {  	[tilespmem:s3], [sflag:$0x1] =	stream.linear.gather [hbm4b:s17+s3], $0x50, $0x38;
	[tilespmem:$0x4880] =	vst v63  }
0x24: {  	p1 =	sne.s32 s15, $0x1;
	s15 =	sadd.s32 $0xFFFFFFFF, s15;
	_ =	swait.ge [sflag:s9], $0x50  }
0x25: {  	[sflag:s9] =	ssyncset.done $0x0  }
0x26: {  	[sflag:s9] =	ssyncadd.s32 $0xFFFFFFB0  }
0x27: {  	[tilespmem:s10], [sflag:$0x1] =	stream.linear.gather [hbm4b:s16+s3], $0x2800, $0x38;
	[tilespmem:$0x4880] =	vst v63  }
0x28: {  	_ =	swait.ge [sflag:s9], $0x2800  }
.Ltmp1:
0x29: {  	[sflag:s9] =	ssyncset.done $0x0;
	(pc) =	sbr.rel @p1 .LBB2_2-.Ltmp1, $4  }
0x2a: {  	[sflag:s9] =	ssyncadd.s32 $0xFFFFD800  }
0x2b: {  	[spmem:s2] =	stream.indirect.scatter.add.f32 [tilespmem:s10], [sflag:$0x1], $0x80, s3, s11, $0xb8;
	[tilespmem:$0x4880] =	vst v63  }
0x2c: {  	_ =	swait.ge [sflag:s9], $0x2800  }
0x2d: {  	[sflag:s9] =	ssyncset.done $0x0  }
.LBB2_3:
0x2e: {  	s12 =	sadd.s32 $0x1, s12  }
0x2f: {  	[sflag:s9] =	ssyncadd.s32 $0xFFFFD800;
	p1 =	sne.s32 s12, s5  }
.Ltmp2:
0x30: {  	[bflag:$0x0] =	sbarrier.arrive $0xFFFF;
	(pc) =	sbr.rel @p1 .LBB2_1-.Ltmp2, $4  }
0x31: {  	[hbm:s4], [sflag:s14] =	dma.local @!p0 [spmem:s8], $0x4000  }
0x32: {  	_ =	swait.ge @!p0 [sflag:s13], $0x4000  }
0x33: {  	[sflag:s13] =	ssyncset.done @!p0 $0x0  }
0x34: {  	[sflag:s13] =	ssyncadd.s32 @!p0 $0xFFFFC000  }
0x35: {  	_ =	sfence.sel $0x180000  }
0x36: {  	[bflag:$0x0] =	sbarrier.arrive $0xFFFF  }
0x37: {  	_ =	strace $0x90000047  }
0x38: {  	s0 =	sadd.s32 @!p0 $0x100000, s0;
	[bflag:$0x2] =	sbarrier.arrive $0xFFFF  }
0x39: {  	[sflag:s0] =	ssyncadd.tile.s32 @!p0 $0x1;
	_ =	shalt  }
.Lfunc_end2:
_tile_overlayer_lowered:
.L_overlay_start_2:
0x3a: {  	(tag) =	ssettag $0x2  }
0x3b: {  	s0 =	rddreg [dreg:$0x0];
	s2 =	stileid.u32  }
0x3c: {  	s1 =	rddreg [dreg:$0x1];
	p0 =	sne.s32 s2, $0x0  }
0x3d: {  	s3 =	rddreg [dreg:$0x2];
	[bflag:$0x3] =	sbarrier.arrive $0xFFFF;
	s2 =	simm.s32 @!p0 $0x1C01  }
0x3e: {  	[timem:s3], [sflag:s2] =	dma.local @!p0 [hbm:s0], s1  }
0x3f: {  	s0 =	simm.s32 @!p0 $0x1  }
0x40: {  	_ =	swait.ge @!p0 [sflag:s0], s1  }
0x41: {  	s1 =	ssub.s32 @!p0 $0x0, s1;
	[sflag:s0] =	ssyncset.done @!p0 $0x0  }
0x42: {  	[sflag:s0] =	ssyncadd.s32 @!p0 s1  }
0x43: {  	[bflag:$0x3] =	sbarrier.arrive $0xFFFF  }
0x44: {  	_ =	shalt  }

</sc_bundles>
